<compile_context>
chip_gen: v7x
topology: tpu7x:2x2x1
jax: 0.10.2.dev20260603
libtpu: 0.0.44.dev20260713+nightly
codegen_flags: <defaults>
</compile_context>

<pallas_src>
import functools

import jax
import jax.numpy as jnp
from jax.experimental import pallas as pl
from jax.experimental.pallas import tpu as pltpu
from jax.experimental.pallas import tpu_sc as plsc

CURV_SCALE = 0.1
GATHER_WINDOW = 256


def _gather_sc(table, idx_flat, seq, bsz):
    n = idx_flat.shape[0]
    d = table.shape[1]
    pack = 128 // d
    bq = bsz // pack
    rows_per_win = bq // 128
    mesh = plsc.VectorSubcoreMesh(core_axis_name="c", subcore_axis_name="s")
    idx2d = idx_flat.reshape(n // 128, 128)

    @functools.partial(
        pl.kernel,
        out_type=jax.ShapeDtypeStruct((seq * bq, 128), table.dtype),
        mesh=mesh,
        compiler_params=pltpu.CompilerParams(use_tc_tiling_on_sc=False),
    )
    def gather_kernel(table_hbm, idx_hbm, out_hbm):
        def body(i_vmem, o_vmem):
            for r in range(rows_per_win):
                pltpu.sync_copy(
                    table_hbm.at[i_vmem.at[r]],
                    o_vmem.at[pl.ds(r * 128, 128)],
                )

        pltpu.emit_pipeline(
            body,
            grid=(seq, pack),
            in_specs=[
                pl.BlockSpec(
                    (rows_per_win, 128), lambda s, c: (s * pack + c, 0)
                )
            ],
            out_specs=[pl.BlockSpec((bq, d), lambda s, c: (s, c))],
            core_axis_name=("c", "s"),
            dimension_semantics=(pltpu.PARALLEL, pltpu.PARALLEL),
        )(idx_hbm, out_hbm)

    return gather_kernel(table, idx2d)


def _pack_table_tc(tab_t, vocab, d):
    pack = 128 // d
    blk = 8192
    bq = blk // pack
    ng = -(-vocab // blk)
    rows_out = ng * bq

    def body(x_ref, o_ref):
        x = x_ref[...]
        z = jnp.concatenate(
            [x[:, a * bq:(a + 1) * bq] for a in range(pack)], axis=0
        )
        o_ref[...] = z.T

    return pl.pallas_call(
        body,
        grid=(ng,),
        in_specs=[pl.BlockSpec((d, blk), lambda i: (0, i))],
        out_specs=pl.BlockSpec((bq, 128), lambda i: (i, 0)),
        out_shape=jax.ShapeDtypeStruct((rows_out, 128), jnp.float32),
        compiler_params=pltpu.CompilerParams(
            dimension_semantics=("parallel",)
        ),
    )(tab_t)


def _project_tc(emb4, w_bd, b_col, seq, bsz, d):
    pack = 128 // d
    bq = bsz // pack
    sstep = 2

    def body(x_ref, w_ref, b_ref, e_ref, c_ref):
        for t in range(sstep):
            x4t = x_ref[t].T
            raw = jnp.dot(
                w_ref[...], x4t, preferred_element_type=jnp.float32
            )
            y4 = jnp.tanh(raw + b_ref[...]) * CURV_SCALE
            for c in range(pack):
                e_ref[t, :, c * bq:(c + 1) * bq] = x4t[c * d:(c + 1) * d, :]
                c_ref[t, :, c * bq:(c + 1) * bq] = y4[c * d:(c + 1) * d, :]

    return pl.pallas_call(
        body,
        grid=(seq // sstep,),
        in_specs=[
            pl.BlockSpec((sstep, bq, 128), lambda i: (i, 0, 0)),
            pl.BlockSpec((pack * d, pack * d), lambda i: (0, 0)),
            pl.BlockSpec((pack * d, 1), lambda i: (0, 0)),
        ],
        out_specs=[
            pl.BlockSpec((sstep, d, bsz), lambda i: (i, 0, 0)),
            pl.BlockSpec((sstep, d, bsz), lambda i: (i, 0, 0)),
        ],
        out_shape=[
            jax.ShapeDtypeStruct((seq, d, bsz), jnp.float32),
            jax.ShapeDtypeStruct((seq, d, bsz), jnp.float32),
        ],
        compiler_params=pltpu.CompilerParams(
            dimension_semantics=("parallel",)
        ),
    )(emb4, w_bd, b_col)


def kernel(token_ids, table, W_curv, b_curv):
    bsz, seq = token_ids.shape
    vocab, d = table.shape
    pack = 128 // d
    idx = token_ids.T.astype(jnp.int32).reshape(-1)
    blk = 8192
    bq = blk // pack
    table4 = _pack_table_tc(table.T, vocab, d)
    u = idx % blk
    idx = pack * (bq * (idx // blk) + u % bq) + u // bq
    emb4 = _gather_sc(
        table4.reshape(table4.shape[0] * pack, d), idx, seq, bsz
    ).reshape(seq, (bsz * d) // 128, 128)
    w_bd = jnp.kron(jnp.eye(pack, dtype=W_curv.dtype), W_curv.T)
    b_col = jnp.tile(b_curv, pack).reshape(pack * d, 1)
    emb_t, curv_t = _project_tc(emb4, w_bd, b_col, seq, bsz, d)
    return (
        jnp.transpose(emb_t, (2, 0, 1)),
        jnp.transpose(curv_t, (2, 0, 1)),
    )

# --- scband reference (transcript-rebuilt; emitter-appended) ---
"""Pipeline reference for scband-field-embedding-39625368273500 (READ-ONLY COPY).

The authoritative reference and input builder live on the scoring server;
editing this copy changes nothing except your own understanding.
"""

import jax, jax.numpy as jnp
import numpy as np

VOCAB = 1000000
EMBED_DIM = 32
CURV_DIM = 32  # ricci -> curvature_output_dim == curvature_dim
CURV_SCALE = 0.1
BATCH = 4096
SEQ = 200


def setup_inputs(seed: int = 0) -> dict:
    key = jax.random.key(seed)
    k1, k2, k3 = jax.random.split(key, 3)
    token_ids = jax.random.randint(k1, (BATCH, SEQ), 0, VOCAB, dtype=jnp.int64 if jax.config.jax_enable_x64 else jnp.int32)
    # keras 'uniform' initializer: U(-0.05, 0.05)
    table = jax.random.uniform(k2, (VOCAB, EMBED_DIM), minval=-0.05, maxval=0.05, dtype=jnp.float32)
    # glorot_uniform for curvature projection
    limit = np.sqrt(6.0 / (EMBED_DIM + CURV_DIM))
    W_curv = jax.random.uniform(k3, (EMBED_DIM, CURV_DIM), minval=-limit, maxval=limit, dtype=jnp.float32)
    b_curv = jnp.zeros((CURV_DIM,), dtype=jnp.float32)
    return {"token_ids": token_ids, "table": table, "W_curv": W_curv, "b_curv": b_curv}


def reference(token_ids, table, W_curv, b_curv):
    # Embedding lookup: tokens -> point vectors
    emb = jnp.take(table, token_ids, axis=0)  # [B, S, D]
    # Curvature projection: tanh(emb @ W + b) * scale ; ricci -> [B, S, D]
    raw = jnp.matmul(emb, W_curv) + b_curv
    curvature = jnp.tanh(raw) * CURV_SCALE
    return (emb, curvature)

if __name__ == "__main__":
    import jax
    _d = setup_inputs()
    print(jax.jit(kernel)(*tuple(_d.values())))

</pallas_src>

<mosaic_0001>
#map = affine_map<(d0, d1) -> (0, 0)>
module attributes {stable_mosaic.version = 14 : i64} {
  func.func @gather_kernel(%arg0: i32, %arg1: i32, %arg2: memref<1007616x32xf32, #tpu.memory_space<hbm>>, %arg3: memref<6400x128xi32, #tpu.memory_space<hbm>>, %arg4: memref<204800x128xf32, #tpu.memory_space<hbm>>) attributes {dimension_semantics = [#tpu.dimension_semantics<core_parallel>, #tpu.dimension_semantics<subcore_parallel>], iteration_bounds = array<i64: 2, 16>, scalar_prefetch = 0 : i64, scratch_operands = 0 : i64, tpu.core_type = #tpu.core_type<sc_vector_subcore>, window_params = [{transform_indices = #map}, {transform_indices = #map}, {transform_indices = #map}]} {
    %mul3A = arith.constant 1 : i32
    %mul3A_0 = arith.muli %arg1, %mul3A : i32
    %add3A = arith.constant 0 : i32
    %add3A_1 = arith.addi %add3A, %mul3A_0 : i32
    %mul3A_2 = arith.constant 16 : i32
    %mul3A_3 = arith.muli %arg0, %mul3A_2 : i32
    %add3A_4 = arith.addi %add3A_1, %mul3A_3 : i32
    %lt3A = arith.constant 8 : i32
    %lt3A_5 = arith.cmpi slt, %add3A_4, %lt3A : i32
    %jit3A = arith.constant 7 : i32
    %jit3A_6 = arith.constant 6 : i32
    %select_n3A = arith.select %lt3A_5, %jit3A, %jit3A_6 : i32
    %lt3A_7 = arith.constant 8 : i32
    %lt3A_8 = arith.cmpi slt, %add3A_4, %lt3A_7 : i32
    %mul3A_9 = arith.muli %add3A_4, %select_n3A : i32
    %mul3A_10 = arith.constant 6 : i32
    %mul3A_11 = arith.muli %add3A_4, %mul3A_10 : i32
    %add3A_12 = arith.constant 8 : i32
    %add3A_13 = arith.addi %mul3A_11, %add3A_12 : i32
    %select_n3A_14 = arith.select %lt3A_8, %mul3A_9, %add3A_13 : i32
    %mul3A_15 = arith.constant 1 : i32
    %mul3A_16 = arith.muli %mul3A_15, %select_n3A : i32
    %mul3A_17 = arith.constant 4 : i32
    %mul3A_18 = arith.muli %mul3A_16, %mul3A_17 : i32
    "tpu.region"() ({
      %run_scoped3A = memref.alloca() : memref<2x8x128xi32, #tpu.memory_space<vmem>>
      %run_scoped3A_19 = tpu.sem_alloc : memref<2x!tpu.dma_semaphore, #tpu.memory_space<semaphore_mem>>
      %run_scoped3A_20 = memref.alloca() : memref<2x1024x32xf32, #tpu.memory_space<vmem>>
      %run_scoped3A_21 = tpu.sem_alloc : memref<2x!tpu.dma_semaphore, #tpu.memory_space<semaphore_mem>>
      %gt3A = arith.constant 0 : i32
      %gt3A_22 = arith.cmpi sgt, %mul3A_18, %gt3A : i32
      %convert_element_type3A = arith.extui %gt3A_22 : i1 to i32
      %cond3A = arith.constant 0 : i32
      %cond3A_23 = arith.cmpi ne, %convert_element_type3A, %cond3A : i32
      scf.if %cond3A_23 {
        %mul3A_24 = arith.constant 1 : i32
        %mul3A_25 = arith.muli %mul3A_24, %select_n3A : i32
        %mul3A_26 = arith.constant 4 : i32
        %mul3A_27 = arith.muli %mul3A_25, %mul3A_26 : i32
        %sub3A = arith.constant 1 : i32
        %sub3A_28 = arith.subi %mul3A_27, %sub3A : i32
        %eq3A = arith.constant 0 : i32
        %eq3A_29 = arith.cmpi eq, %sub3A_28, %eq3A : i32
        %add3A_30 = arith.constant 0 : i32
        %add3A_31 = arith.addi %add3A_30, %select_n3A_14 : i32
        %select_n3A_32 = arith.constant true
        %select_n3A_33 = arith.constant 0 : i32
        %select_n3A_34 = arith.constant -1 : i32
        %select_n3A_35 = arith.select %select_n3A_32, %select_n3A_34, %select_n3A_33 : i32
        %eq3A_36 = arith.constant -1 : i32
        %eq3A_37 = arith.cmpi eq, %select_n3A_35, %eq3A_36 : i32
        %select_n3A_38 = arith.constant 3 : i32
        %select_n3A_39 = arith.select %eq3A_37, %select_n3A_38, %select_n3A_35 : i32
        %select_n3A_40 = arith.constant 0 : i32
        %select_n3A_41 = arith.constant -1 : i32
        %select_n3A_42 = arith.select %eq3A_37, %select_n3A_41, %select_n3A_40 : i32
        %eq3A_43 = arith.constant -1 : i32
        %eq3A_44 = arith.cmpi eq, %select_n3A_42, %eq3A_43 : i32
        %sub3A_45 = arith.constant 1 : i32
        %sub3A_46 = arith.subi %select_n3A, %sub3A_45 : i32
        %select_n3A_47 = arith.select %eq3A_44, %sub3A_46, %select_n3A_42 : i32
        %add3A_48 = arith.addi %select_n3A_47, %select_n3A_14 : i32
        %add3A_49 = arith.constant 0 : i32
        %add3A_50 = arith.addi %select_n3A_39, %add3A_49 : i32
        %select_n3A_51 = arith.constant true
        %select_n3A_52 = arith.constant 0 : i32
        %select_n3A_53 = arith.constant 1 : i32
        %select_n3A_54 = arith.select %select_n3A_51, %select_n3A_53, %select_n3A_52 : i32
        %eq3A_55 = arith.constant 4 : i32
        %eq3A_56 = arith.cmpi eq, %select_n3A_54, %eq3A_55 : i32
        %select_n3A_57 = arith.constant 0 : i32
        %select_n3A_58 = arith.select %eq3A_56, %select_n3A_57, %select_n3A_54 : i32
        %select_n3A_59 = arith.constant 0 : i32
        %select_n3A_60 = arith.constant 1 : i32
        %select_n3A_61 = arith.select %eq3A_56, %select_n3A_60, %select_n3A_59 : i32
        %eq3A_62 = arith.cmpi eq, %select_n3A_61, %select_n3A : i32
        %select_n3A_63 = arith.constant 0 : i32
        %select_n3A_64 = arith.select %eq3A_62, %select_n3A_63, %select_n3A_61 : i32
        %add3A_65 = arith.addi %select_n3A_64, %select_n3A_14 : i32
        %add3A_66 = arith.constant 0 : i32
        %add3A_67 = arith.addi %select_n3A_58, %add3A_66 : i32
        %add3A_68 = arith.constant 1 : i32
        %add3A_69 = arith.addi %select_n3A_58, %add3A_68 : i32
        %select_n3A_70 = arith.constant true
        %select_n3A_71 = arith.select %select_n3A_70, %add3A_69, %select_n3A_58 : i32
        %eq3A_72 = arith.constant 4 : i32
        %eq3A_73 = arith.cmpi eq, %select_n3A_71, %eq3A_72 : i32
        %select_n3A_74 = arith.constant 0 : i32
        %select_n3A_75 = arith.select %eq3A_73, %select_n3A_74, %select_n3A_71 : i32
        %add3A_76 = arith.constant 1 : i32
        %add3A_77 = arith.addi %select_n3A_64, %add3A_76 : i32
        %select_n3A_78 = arith.select %eq3A_73, %add3A_77, %select_n3A_64 : i32
        %eq3A_79 = arith.cmpi eq, %select_n3A_78, %select_n3A : i32
        %select_n3A_80 = arith.constant 0 : i32
        %select_n3A_81 = arith.select %eq3A_79, %select_n3A_80, %select_n3A_78 : i32
        %add3A_82 = arith.addi %select_n3A_81, %select_n3A_14 : i32
        %add3A_83 = arith.constant 0 : i32
        %add3A_84 = arith.addi %select_n3A_75, %add3A_83 : i32
        "tpu.trace_start"() <{level = 10 : i32, message = "ep_initialize_0"}> : () -> ()
        %rem3A = arith.constant 0 : i32
        %rem3A_85 = arith.constant 2 : i32
        %rem3A_86 = arith.remui %rem3A, %rem3A_85 : i32
        %mul3A_87 = arith.constant 4 : i32
        %mul3A_88 = arith.muli %add3A_31, %mul3A_87 : i32
        %add3A_89 = arith.constant 0 : i32
        %add3A_90 = arith.addi %mul3A_88, %add3A_89 : i32
        %mul3A_91 = arith.constant 8 : i32
        %mul3A_92 = arith.muli %mul3A_91, %add3A_90 : i32
        %dma_start3A = arith.constant 0 : i32
        %dma_start3A_93 = arith.constant 0 : i32
        %dma_start3A_94 = tpu.memref_slice %run_scoped3A[%rem3A_86, %dma_start3A, %dma_start3A_93] : memref<2x8x128xi32, #tpu.memory_space<vmem>> -> memref<1x8x128xi32, #tpu.memory_space<vmem>>
        %dma_start3A_95 = tpu.memref_squeeze %dma_start3A_94 : memref<1x8x128xi32, #tpu.memory_space<vmem>> -> memref<8x128xi32, #tpu.memory_space<vmem>>
        %dma_start3A_96 = arith.constant 0 : i32
        %dma_start3A_97 = tpu.memref_slice %arg3[%mul3A_92, %dma_start3A_96] : memref<6400x128xi32, #tpu.memory_space<hbm>> -> memref<8x128xi32, #tpu.memory_space<hbm>>
        %dma_start3A_98 = tpu.memref_slice %run_scoped3A_19[%rem3A_86] : memref<2x!tpu.dma_semaphore, #tpu.memory_space<semaphore_mem>> -> memref<1x!tpu.dma_semaphore, #tpu.memory_space<semaphore_mem>>
        %dma_start3A_99 = tpu.memref_squeeze %dma_start3A_98 : memref<1x!tpu.dma_semaphore, #tpu.memory_space<semaphore_mem>> -> memref<!tpu.dma_semaphore, #tpu.memory_space<semaphore_mem>>
        %dma_start3A_100 = arith.constant 0 : i32
        %dma_start3A_101 = arith.constant 0 : i32
        %dma_start3A_102 = tpu.memref_slice %run_scoped3A[%rem3A_86, %dma_start3A_100, %dma_start3A_101] : memref<2x8x128xi32, #tpu.memory_space<vmem>> -> memref<1x8x128xi32, #tpu.memory_space<vmem>>
        %dma_start3A_103 = tpu.memref_squeeze %dma_start3A_102 : memref<1x8x128xi32, #tpu.memory_space<vmem>> -> memref<8x128xi32, #tpu.memory_space<vmem>>
        %dma_start3A_104 = arith.constant 0 : i32
        %dma_start3A_105 = tpu.memref_slice %arg3[%mul3A_92, %dma_start3A_104] : memref<6400x128xi32, #tpu.memory_space<hbm>> -> memref<8x128xi32, #tpu.memory_space<hbm>>
        tpu.enqueue_dma source(%dma_start3A_105 : memref<8x128xi32, #tpu.memory_space<hbm>>) target(%dma_start3A_103 : memref<8x128xi32, #tpu.memory_space<vmem>>) target_semaphore(%dma_start3A_99 : memref<!tpu.dma_semaphore, #tpu.memory_space<semaphore_mem>>)
        %add3A_106 = arith.constant 0 : i32
        %add3A_107 = arith.constant 1 : i32
        %add3A_108 = arith.addi %add3A_106, %add3A_107 : i32
        %select_n3A_109 = arith.constant true
        %select_n3A_110 = arith.constant 0 : i32
        %select_n3A_111 = arith.select %select_n3A_109, %add3A_108, %select_n3A_110 : i32
        %while3A = arith.constant 0 : i32
        %while3A_112 = arith.constant 0 : i32
        %while3A_113 = arith.constant 0 : i32
        %while3A_114 = arith.constant 0 : i32
        %while3A_115 = arith.constant 0 : i32
        %while3A_116 = arith.constant 0 : i32
        "tpu.trace_stop"() : () -> ()
        %while3A_117 = arith.subi %mul3A_18, %while3A : i32
        %while3A_118 = arith.addi %while3A, %while3A_117 : i32
        %while3A_119 = arith.constant 1 : i32
        %while3A_120 = arith.divsi %while3A_117, %while3A_119 : i32
        %while3A_121 = arith.muli %while3A_120, %while3A_119 : i32
        %while3A_122 = arith.addi %while3A, %while3A_121 : i32
        %while3A_123 = arith.constant 1 : i32
        %while3A_124:6 = scf.for %while3A_216 = %while3A to %while3A_122 step %while3A_123 iter_args(%while3A_217 = %select_n3A_111, %while3A_218 = %while3A_112, %while3A_219 = %while3A_113, %while3A_220 = %while3A_114, %while3A_221 = %while3A_115, %while3A_222 = %while3A_116) -> (i32, i32, i32, i32, i32, i32)  : i32 {
          %mul3A_223 = arith.constant 1 : i32
          %mul3A_224 = arith.muli %mul3A_223, %select_n3A : i32
          %mul3A_225 = arith.constant 4 : i32
          %mul3A_226 = arith.muli %mul3A_224, %mul3A_225 : i32
          %eq3A_227 = arith.constant 0 : i32
          %eq3A_228 = arith.cmpi eq, %while3A_216, %eq3A_227 : i32
          %sub3A_229 = arith.constant 1 : i32
          %sub3A_230 = arith.subi %mul3A_226, %sub3A_229 : i32
          %eq3A_231 = arith.cmpi eq, %while3A_216, %sub3A_230 : i32
          %add3A_232 = arith.addi %while3A_221, %select_n3A_14 : i32
          %add3A_233 = arith.constant 0 : i32
          %add3A_234 = arith.addi %while3A_222, %add3A_233 : i32
          %sub3A_235 = arith.constant 1 : i32
          %sub3A_236 = arith.subi %while3A_222, %sub3A_235 : i32
          %select_n3A_237 = arith.constant true
          %select_n3A_238 = arith.select %select_n3A_237, %sub3A_236, %while3A_222 : i32
          %eq3A_239 = arith.constant -1 : i32
          %eq3A_240 = arith.cmpi eq, %select_n3A_238, %eq3A_239 : i32
          %select_n3A_241 = arith.constant 3 : i32
          %select_n3A_242 = arith.select %eq3A_240, %select_n3A_241, %select_n3A_238 : i32
          %sub3A_243 = arith.constant 1 : i32
          %sub3A_244 = arith.subi %while3A_221, %sub3A_243 : i32
          %select_n3A_245 = arith.select %eq3A_240, %sub3A_244, %while3A_221 : i32
          %eq3A_246 = arith.constant -1 : i32
          %eq3A_247 = arith.cmpi eq, %select_n3A_245, %eq3A_246 : i32
          %sub3A_248 = arith.constant 1 : i32
          %sub3A_249 = arith.subi %select_n3A, %sub3A_248 : i32
          %select_n3A_250 = arith.select %eq3A_247, %sub3A_249, %select_n3A_245 : i32
          %add3A_251 = arith.addi %select_n3A_250, %select_n3A_14 : i32
          %add3A_252 = arith.constant 0 : i32
          %add3A_253 = arith.addi %select_n3A_242, %add3A_252 : i32
          %add3A_254 = arith.constant 1 : i32
          %add3A_255 = arith.addi %while3A_222, %add3A_254 : i32
          %select_n3A_256 = arith.constant true
          %select_n3A_257 = arith.select %select_n3A_256, %add3A_255, %while3A_222 : i32
          %eq3A_258 = arith.constant 4 : i32
          %eq3A_259 = arith.cmpi eq, %select_n3A_257, %eq3A_258 : i32
          %select_n3A_260 = arith.constant 0 : i32
          %select_n3A_261 = arith.select %eq3A_259, %select_n3A_260, %select_n3A_257 : i32
          %add3A_262 = arith.constant 1 : i32
          %add3A_263 = arith.addi %while3A_221, %add3A_262 : i32
          %select_n3A_264 = arith.select %eq3A_259, %add3A_263, %while3A_221 : i32
          %eq3A_265 = arith.cmpi eq, %select_n3A_264, %select_n3A : i32
          %select_n3A_266 = arith.constant 0 : i32
          %select_n3A_267 = arith.select %eq3A_265, %select_n3A_266, %select_n3A_264 : i32
          %add3A_268 = arith.addi %select_n3A_267, %select_n3A_14 : i32
          %add3A_269 = arith.constant 0 : i32
          %add3A_270 = arith.addi %select_n3A_261, %add3A_269 : i32
          %add3A_271 = arith.constant 1 : i32
          %add3A_272 = arith.addi %select_n3A_261, %add3A_271 : i32
          %select_n3A_273 = arith.constant true
          %select_n3A_274 = arith.select %select_n3A_273, %add3A_272, %select_n3A_261 : i32
          %eq3A_275 = arith.constant 4 : i32
          %eq3A_276 = arith.cmpi eq, %select_n3A_274, %eq3A_275 : i32
          %select_n3A_277 = arith.constant 0 : i32
          %select_n3A_278 = arith.select %eq3A_276, %select_n3A_277, %select_n3A_274 : i32
          %add3A_279 = arith.constant 1 : i32
          %add3A_280 = arith.addi %select_n3A_267, %add3A_279 : i32
          %select_n3A_281 = arith.select %eq3A_276, %add3A_280, %select_n3A_267 : i32
          %eq3A_282 = arith.cmpi eq, %select_n3A_281, %select_n3A : i32
          %select_n3A_283 = arith.constant 0 : i32
          %select_n3A_284 = arith.select %eq3A_282, %select_n3A_283, %select_n3A_281 : i32
          %add3A_285 = arith.addi %select_n3A_284, %select_n3A_14 : i32
          %add3A_286 = arith.constant 0 : i32
          %add3A_287 = arith.addi %select_n3A_278, %add3A_286 : i32
          %mul3A_288 = arith.constant 4 : i32
          %mul3A_289 = arith.muli %add3A_232, %mul3A_288 : i32
          %add3A_290 = arith.addi %mul3A_289, %add3A_234 : i32
          %mul3A_291 = arith.constant 4 : i32
          %mul3A_292 = arith.muli %add3A_268, %mul3A_291 : i32
          %add3A_293 = arith.addi %mul3A_292, %add3A_270 : i32
          %ne3A = arith.cmpi ne, %add3A_290, %add3A_293 : i32
          %or3A = arith.constant false
          %or3A_294 = arith.ori %or3A, %ne3A : i1
          %or3A_295 = arith.constant false
          %or3A_296 = arith.ori %or3A_294, %or3A_295 : i1
          %sub3A_297 = arith.constant 2 : i32
          %sub3A_298 = arith.subi %mul3A_226, %sub3A_297 : i32
          %add3A_299 = arith.constant 1 : i32
          %add3A_300 = arith.addi %sub3A_298, %add3A_299 : i32
          %ge3A = arith.cmpi sge, %while3A_216, %add3A_300 : i32
          %not3A = arith.constant true
          %not3A_301 = arith.xori %ge3A, %not3A : i1
          %and3A = arith.andi %or3A_296, %not3A_301 : i1
          %convert_element_type3A_302 = arith.extui %and3A : i1 to i32
          %cond3A_303 = arith.constant 0 : i32
          %cond3A_304 = arith.cmpi ne, %convert_element_type3A_302, %cond3A_303 : i32
          scf.if %cond3A_304 {
            "tpu.trace_start"() <{level = 10 : i32, message = "ep_copy_in"}> : () -> ()
            %rem3A_454 = arith.constant 2 : i32
            %rem3A_455 = arith.remui %while3A_217, %rem3A_454 : i32
            %mul3A_456 = arith.constant 4 : i32
            %mul3A_457 = arith.muli %add3A_268, %mul3A_456 : i32
            %add3A_458 = arith.addi %mul3A_457, %add3A_270 : i32
            %mul3A_459 = arith.constant 8 : i32
            %mul3A_460 = arith.muli %mul3A_459, %add3A_458 : i32
            %dma_start3A_461 = arith.constant 0 : i32
            %dma_start3A_462 = arith.constant 0 : i32
            %dma_start3A_463 = tpu.memref_slice %run_scoped3A[%rem3A_455, %dma_start3A_461, %dma_start3A_462] : memref<2x8x128xi32, #tpu.memory_space<vmem>> -> memref<1x8x128xi32, #tpu.memory_space<vmem>>
            %dma_start3A_464 = tpu.memref_squeeze %dma_start3A_463 : memref<1x8x128xi32, #tpu.memory_space<vmem>> -> memref<8x128xi32, #tpu.memory_space<vmem>>
            %dma_start3A_465 = arith.constant 0 : i32
            %dma_start3A_466 = tpu.memref_slice %arg3[%mul3A_460, %dma_start3A_465] : memref<6400x128xi32, #tpu.memory_space<hbm>> -> memref<8x128xi32, #tpu.memory_space<hbm>>
            %dma_start3A_467 = tpu.memref_slice %run_scoped3A_19[%rem3A_455] : memref<2x!tpu.dma_semaphore, #tpu.memory_space<semaphore_mem>> -> memref<1x!tpu.dma_semaphore, #tpu.memory_space<semaphore_mem>>
            %dma_start3A_468 = tpu.memref_squeeze %dma_start3A_467 : memref<1x!tpu.dma_semaphore, #tpu.memory_space<semaphore_mem>> -> memref<!tpu.dma_semaphore, #tpu.memory_space<semaphore_mem>>
            %dma_start3A_469 = arith.constant 0 : i32
            %dma_start3A_470 = arith.constant 0 : i32
            %dma_start3A_471 = tpu.memref_slice %run_scoped3A[%rem3A_455, %dma_start3A_469, %dma_start3A_470] : memref<2x8x128xi32, #tpu.memory_space<vmem>> -> memref<1x8x128xi32, #tpu.memory_space<vmem>>
            %dma_start3A_472 = tpu.memref_squeeze %dma_start3A_471 : memref<1x8x128xi32, #tpu.memory_space<vmem>> -> memref<8x128xi32, #tpu.memory_space<vmem>>
            %dma_start3A_473 = arith.constant 0 : i32
            %dma_start3A_474 = tpu.memref_slice %arg3[%mul3A_460, %dma_start3A_473] : memref<6400x128xi32, #tpu.memory_space<hbm>> -> memref<8x128xi32, #tpu.memory_space<hbm>>
            tpu.enqueue_dma source(%dma_start3A_474 : memref<8x128xi32, #tpu.memory_space<hbm>>) target(%dma_start3A_472 : memref<8x128xi32, #tpu.memory_space<vmem>>) target_semaphore(%dma_start3A_468 : memref<!tpu.dma_semaphore, #tpu.memory_space<semaphore_mem>>)
            "tpu.trace_stop"() : () -> ()
          } else {
          }
          %and3A_305 = arith.constant true
          %and3A_306 = arith.andi %and3A, %and3A_305 : i1
          %add3A_307 = arith.constant 1 : i32
          %add3A_308 = arith.addi %while3A_217, %add3A_307 : i32
          %select_n3A_309 = arith.select %and3A_306, %add3A_308, %while3A_217 : i32
          %ne3A_310 = arith.cmpi ne, %add3A_232, %add3A_268 : i32
          %ne3A_311 = arith.cmpi ne, %add3A_234, %add3A_270 : i32
          %or3A_312 = arith.constant false
          %or3A_313 = arith.ori %or3A_312, %ne3A_310 : i1
          %or3A_314 = arith.ori %or3A_313, %ne3A_311 : i1
          %sub3A_315 = arith.constant 2 : i32
          %sub3A_316 = arith.subi %mul3A_226, %sub3A_315 : i32
          %add3A_317 = arith.constant 1 : i32
          %add3A_318 = arith.addi %sub3A_316, %add3A_317 : i32
          %ge3A_319 = arith.cmpi sge, %while3A_216, %add3A_318 : i32
          %not3A_320 = arith.constant true
          %not3A_321 = arith.xori %ge3A_319, %not3A_320 : i1
          %and3A_322 = arith.andi %or3A_314, %not3A_321 : i1
          %mul3A_323 = arith.constant 4 : i32
          %mul3A_324 = arith.muli %add3A_232, %mul3A_323 : i32
          %add3A_325 = arith.addi %mul3A_324, %add3A_234 : i32
          %mul3A_326 = arith.constant 4 : i32
          %mul3A_327 = arith.muli %add3A_251, %mul3A_326 : i32
          %add3A_328 = arith.addi %mul3A_327, %add3A_253 : i32
          %ne3A_329 = arith.cmpi ne, %add3A_325, %add3A_328 : i32
          %or3A_330 = arith.constant false
          %or3A_331 = arith.ori %or3A_330, %ne3A_329 : i1
          %or3A_332 = arith.constant false
          %or3A_333 = arith.ori %or3A_331, %or3A_332 : i1
          %or3A_334 = arith.ori %or3A_333, %eq3A_228 : i1
          %convert_element_type3A_335 = arith.extui %or3A_334 : i1 to i32
          %cond3A_336 = arith.constant 0 : i32
          %cond3A_337 = arith.cmpi ne, %convert_element_type3A_335, %cond3A_336 : i32
          scf.if %cond3A_337 {
            "tpu.trace_start"() <{level = 10 : i32, message = "ep_wait_in"}> : () -> ()
            %mul3A_454 = arith.constant 4 : i32
            %mul3A_455 = arith.muli %add3A_232, %mul3A_454 : i32
            %add3A_456 = arith.addi %mul3A_455, %add3A_234 : i32
            %mul3A_457 = arith.constant 8 : i32
            %mul3A_458 = arith.muli %mul3A_457, %add3A_456 : i32
            %rem3A_459 = arith.constant 2 : i32
            %rem3A_460 = arith.remui %while3A_218, %rem3A_459 : i32
            %dma_wait3A = arith.constant 0 : i32
            %dma_wait3A_461 = arith.constant 0 : i32
            %dma_wait3A_462 = tpu.memref_slice %run_scoped3A[%rem3A_460, %dma_wait3A, %dma_wait3A_461] : memref<2x8x128xi32, #tpu.memory_space<vmem>> -> memref<1x8x128xi32, #tpu.memory_space<vmem>>
            %dma_wait3A_463 = tpu.memref_squeeze %dma_wait3A_462 : memref<1x8x128xi32, #tpu.memory_space<vmem>> -> memref<8x128xi32, #tpu.memory_space<vmem>>
            %dma_wait3A_464 = arith.constant 0 : i32
            %dma_wait3A_465 = tpu.memref_slice %arg3[%mul3A_458, %dma_wait3A_464] : memref<6400x128xi32, #tpu.memory_space<hbm>> -> memref<8x128xi32, #tpu.memory_space<hbm>>
            %dma_wait3A_466 = tpu.memref_slice %run_scoped3A_19[%rem3A_460] : memref<2x!tpu.dma_semaphore, #tpu.memory_space<semaphore_mem>> -> memref<1x!tpu.dma_semaphore, #tpu.memory_space<semaphore_mem>>
            %dma_wait3A_467 = tpu.memref_squeeze %dma_wait3A_466 : memref<1x!tpu.dma_semaphore, #tpu.memory_space<semaphore_mem>> -> memref<!tpu.dma_semaphore, #tpu.memory_space<semaphore_mem>>
            %dma_wait3A_468 = arith.constant 0 : i32
            %dma_wait3A_469 = arith.constant 0 : i32
            %dma_wait3A_470 = tpu.memref_slice %run_scoped3A[%rem3A_460, %dma_wait3A_468, %dma_wait3A_469] : memref<2x8x128xi32, #tpu.memory_space<vmem>> -> memref<1x8x128xi32, #tpu.memory_space<vmem>>
            %dma_wait3A_471 = tpu.memref_squeeze %dma_wait3A_470 : memref<1x8x128xi32, #tpu.memory_space<vmem>> -> memref<8x128xi32, #tpu.memory_space<vmem>>
            %dma_wait3A_472 = arith.constant 0 : i32
            %dma_wait3A_473 = tpu.memref_slice %arg3[%mul3A_458, %dma_wait3A_472] : memref<6400x128xi32, #tpu.memory_space<hbm>> -> memref<8x128xi32, #tpu.memory_space<hbm>>
            tpu.wait_dma2 semaphore(%dma_wait3A_467 : memref<!tpu.dma_semaphore, #tpu.memory_space<semaphore_mem>>) src(%dma_wait3A_473 : memref<8x128xi32, #tpu.memory_space<hbm>>) dst(%dma_wait3A_471 : memref<8x128xi32, #tpu.memory_space<vmem>>)
            "tpu.trace_stop"() : () -> ()
          } else {
          }
          %ne3A_338 = arith.cmpi ne, %add3A_232, %add3A_251 : i32
          %ne3A_339 = arith.cmpi ne, %add3A_234, %add3A_253 : i32
          %or3A_340 = arith.constant false
          %or3A_341 = arith.ori %or3A_340, %ne3A_338 : i1
          %or3A_342 = arith.ori %or3A_341, %ne3A_339 : i1
          %or3A_343 = arith.ori %or3A_342, %eq3A_228 : i1
          %convert_element_type3A_344 = arith.extui %or3A_343 : i1 to i32
          %cond3A_345 = arith.constant 0 : i32
          %cond3A_346 = arith.cmpi ne, %convert_element_type3A_344, %cond3A_345 : i32
          scf.if %cond3A_346 {
          } else {
          }
          %rem3A_347 = arith.constant 2 : i32
          %rem3A_348 = arith.remui %while3A_218, %rem3A_347 : i32
          %rem3A_349 = arith.constant 2 : i32
          %rem3A_350 = arith.remui %while3A_219, %rem3A_349 : i32
          %run_scoped3A_351 = arith.constant 0 : i32
          "tpu.trace_start"() <{level = 10 : i32, message = "ep_run_kernel"}> : () -> ()
          "tpu.region"() ({
            %run_scoped3A_454 = tpu.sem_alloc : memref<!tpu.dma_semaphore, #tpu.memory_space<semaphore_mem>>
            %dma_start3A_455 = arith.constant 0 : i32
            %dma_start3A_456 = arith.constant 0 : i32
            %dma_start3A_457 = tpu.memref_slice %run_scoped3A_20[%rem3A_350, %dma_start3A_455, %dma_start3A_456] : memref<2x1024x32xf32, #tpu.memory_space<vmem>> -> memref<1x1024x32xf32, #tpu.memory_space<vmem>>
            %dma_start3A_458 = tpu.memref_squeeze %dma_start3A_457 : memref<1x1024x32xf32, #tpu.memory_space<vmem>> -> memref<1024x32xf32, #tpu.memory_space<vmem>>
            %dma_start3A_459 = arith.constant 0 : i32
            %dma_start3A_460 = arith.constant 0 : i32
            %dma_start3A_461 = tpu.memref_slice %dma_start3A_458[%dma_start3A_459, %dma_start3A_460] : memref<1024x32xf32, #tpu.memory_space<vmem>> -> memref<128x32xf32, #tpu.memory_space<vmem>>
            %dma_start3A_462 = arith.constant 0 : i32
            %dma_start3A_463 = arith.constant 0 : i32
            %dma_start3A_464 = tpu.memref_slice %run_scoped3A[%rem3A_348, %dma_start3A_462, %dma_start3A_463] : memref<2x8x128xi32, #tpu.memory_space<vmem>> -> memref<1x8x128xi32, #tpu.memory_space<vmem>>
            %dma_start3A_465 = tpu.memref_squeeze %dma_start3A_464 : memref<1x8x128xi32, #tpu.memory_space<vmem>> -> memref<8x128xi32, #tpu.memory_space<vmem>>
            %dma_start3A_466 = arith.constant 0 : i32
            %dma_start3A_467 = tpu.memref_slice %dma_start3A_465[%run_scoped3A_351, %dma_start3A_466] : memref<8x128xi32, #tpu.memory_space<vmem>> -> memref<1x128xi32, #tpu.memory_space<vmem>>
            %dma_start3A_468 = tpu.memref_squeeze %dma_start3A_467 : memref<1x128xi32, #tpu.memory_space<vmem>> -> memref<128xi32, #tpu.memory_space<vmem>>
            %dma_start3A_469 = arith.constant 0 : i32
            %dma_start3A_470 = arith.constant 0 : i32
            %dma_start3A_471 = tpu.memref_slice %arg2[%dma_start3A_469, %dma_start3A_470] : memref<1007616x32xf32, #tpu.memory_space<hbm>> -> memref<1007616x32xf32, #tpu.memory_space<hbm>>
            tpu.enqueue_indirect_dma source(%dma_start3A_471 : memref<1007616x32xf32, #tpu.memory_space<hbm>>) target(%dma_start3A_461 : memref<128x32xf32, #tpu.memory_space<vmem>>) offsets(%dma_start3A_468 : memref<128xi32, #tpu.memory_space<vmem>>) semaphore(%run_scoped3A_454 : memref<!tpu.dma_semaphore, #tpu.memory_space<semaphore_mem>>)
            %dma_wait3A = arith.constant 0 : i32
            %dma_wait3A_472 = arith.constant 0 : i32
            %dma_wait3A_473 = tpu.memref_slice %run_scoped3A_20[%rem3A_350, %dma_wait3A, %dma_wait3A_472] : memref<2x1024x32xf32, #tpu.memory_space<vmem>> -> memref<1x1024x32xf32, #tpu.memory_space<vmem>>
            %dma_wait3A_474 = tpu.memref_squeeze %dma_wait3A_473 : memref<1x1024x32xf32, #tpu.memory_space<vmem>> -> memref<1024x32xf32, #tpu.memory_space<vmem>>
            %dma_wait3A_475 = arith.constant 0 : i32
            %dma_wait3A_476 = arith.constant 0 : i32
            %dma_wait3A_477 = tpu.memref_slice %dma_wait3A_474[%dma_wait3A_475, %dma_wait3A_476] : memref<1024x32xf32, #tpu.memory_space<vmem>> -> memref<128x32xf32, #tpu.memory_space<vmem>>
            %dma_wait3A_478 = arith.constant 0 : i32
            %dma_wait3A_479 = arith.constant 0 : i32
            %dma_wait3A_480 = tpu.memref_slice %run_scoped3A[%rem3A_348, %dma_wait3A_478, %dma_wait3A_479] : memref<2x8x128xi32, #tpu.memory_space<vmem>> -> memref<1x8x128xi32, #tpu.memory_space<vmem>>
            %dma_wait3A_481 = tpu.memref_squeeze %dma_wait3A_480 : memref<1x8x128xi32, #tpu.memory_space<vmem>> -> memref<8x128xi32, #tpu.memory_space<vmem>>
            %dma_wait3A_482 = arith.constant 0 : i32
            %dma_wait3A_483 = tpu.memref_slice %dma_wait3A_481[%run_scoped3A_351, %dma_wait3A_482] : memref<8x128xi32, #tpu.memory_space<vmem>> -> memref<1x128xi32, #tpu.memory_space<vmem>>
            %dma_wait3A_484 = tpu.memref_squeeze %dma_wait3A_483 : memref<1x128xi32, #tpu.memory_space<vmem>> -> memref<128xi32, #tpu.memory_space<vmem>>
            %dma_wait3A_485 = arith.constant 0 : i32
            %dma_wait3A_486 = arith.constant 0 : i32
            %dma_wait3A_487 = tpu.memref_slice %arg2[%dma_wait3A_485, %dma_wait3A_486] : memref<1007616x32xf32, #tpu.memory_space<hbm>> -> memref<1007616x32xf32, #tpu.memory_space<hbm>>
            tpu.wait_indirect_dma semaphore(%run_scoped3A_454 : memref<!tpu.dma_semaphore, #tpu.memory_space<semaphore_mem>>) src(%dma_wait3A_487 : memref<1007616x32xf32, #tpu.memory_space<hbm>>) dst(%dma_wait3A_477 : memref<128x32xf32, #tpu.memory_space<vmem>>)
            tpu.yield
          }) : () -> ()
          %run_scoped3A_352 = arith.constant 1 : i32
          "tpu.region"() ({
            %run_scoped3A_454 = tpu.sem_alloc : memref<!tpu.dma_semaphore, #tpu.memory_space<semaphore_mem>>
            %dma_start3A_455 = arith.constant 0 : i32
            %dma_start3A_456 = arith.constant 0 : i32
            %dma_start3A_457 = tpu.memref_slice %run_scoped3A_20[%rem3A_350, %dma_start3A_455, %dma_start3A_456] : memref<2x1024x32xf32, #tpu.memory_space<vmem>> -> memref<1x1024x32xf32, #tpu.memory_space<vmem>>
            %dma_start3A_458 = tpu.memref_squeeze %dma_start3A_457 : memref<1x1024x32xf32, #tpu.memory_space<vmem>> -> memref<1024x32xf32, #tpu.memory_space<vmem>>
            %dma_start3A_459 = arith.constant 128 : i32
            %dma_start3A_460 = arith.constant 0 : i32
            %dma_start3A_461 = tpu.memref_slice %dma_start3A_458[%dma_start3A_459, %dma_start3A_460] : memref<1024x32xf32, #tpu.memory_space<vmem>> -> memref<128x32xf32, #tpu.memory_space<vmem>>
            %dma_start3A_462 = arith.constant 0 : i32
            %dma_start3A_463 = arith.constant 0 : i32
            %dma_start3A_464 = tpu.memref_slice %run_scoped3A[%rem3A_348, %dma_start3A_462, %dma_start3A_463] : memref<2x8x128xi32, #tpu.memory_space<vmem>> -> memref<1x8x128xi32, #tpu.memory_space<vmem>>
            %dma_start3A_465 = tpu.memref_squeeze %dma_start3A_464 : memref<1x8x128xi32, #tpu.memory_space<vmem>> -> memref<8x128xi32, #tpu.memory_space<vmem>>
            %dma_start3A_466 = arith.constant 0 : i32
            %dma_start3A_467 = tpu.memref_slice %dma_start3A_465[%run_scoped3A_352, %dma_start3A_466] : memref<8x128xi32, #tpu.memory_space<vmem>> -> memref<1x128xi32, #tpu.memory_space<vmem>>
            %dma_start3A_468 = tpu.memref_squeeze %dma_start3A_467 : memref<1x128xi32, #tpu.memory_space<vmem>> -> memref<128xi32, #tpu.memory_space<vmem>>
            %dma_start3A_469 = arith.constant 0 : i32
            %dma_start3A_470 = arith.constant 0 : i32
            %dma_start3A_471 = tpu.memref_slice %arg2[%dma_start3A_469, %dma_start3A_470] : memref<1007616x32xf32, #tpu.memory_space<hbm>> -> memref<1007616x32xf32, #tpu.memory_space<hbm>>
            tpu.enqueue_indirect_dma source(%dma_start3A_471 : memref<1007616x32xf32, #tpu.memory_space<hbm>>) target(%dma_start3A_461 : memref<128x32xf32, #tpu.memory_space<vmem>>) offsets(%dma_start3A_468 : memref<128xi32, #tpu.memory_space<vmem>>) semaphore(%run_scoped3A_454 : memref<!tpu.dma_semaphore, #tpu.memory_space<semaphore_mem>>)
            %dma_wait3A = arith.constant 0 : i32
            %dma_wait3A_472 = arith.constant 0 : i32
            %dma_wait3A_473 = tpu.memref_slice %run_scoped3A_20[%rem3A_350, %dma_wait3A, %dma_wait3A_472] : memref<2x1024x32xf32, #tpu.memory_space<vmem>> -> memref<1x1024x32xf32, #tpu.memory_space<vmem>>
            %dma_wait3A_474 = tpu.memref_squeeze %dma_wait3A_473 : memref<1x1024x32xf32, #tpu.memory_space<vmem>> -> memref<1024x32xf32, #tpu.memory_space<vmem>>
            %dma_wait3A_475 = arith.constant 128 : i32
            %dma_wait3A_476 = arith.constant 0 : i32
            %dma_wait3A_477 = tpu.memref_slice %dma_wait3A_474[%dma_wait3A_475, %dma_wait3A_476] : memref<1024x32xf32, #tpu.memory_space<vmem>> -> memref<128x32xf32, #tpu.memory_space<vmem>>
            %dma_wait3A_478 = arith.constant 0 : i32
            %dma_wait3A_479 = arith.constant 0 : i32
            %dma_wait3A_480 = tpu.memref_slice %run_scoped3A[%rem3A_348, %dma_wait3A_478, %dma_wait3A_479] : memref<2x8x128xi32, #tpu.memory_space<vmem>> -> memref<1x8x128xi32, #tpu.memory_space<vmem>>
            %dma_wait3A_481 = tpu.memref_squeeze %dma_wait3A_480 : memref<1x8x128xi32, #tpu.memory_space<vmem>> -> memref<8x128xi32, #tpu.memory_space<vmem>>
            %dma_wait3A_482 = arith.constant 0 : i32
            %dma_wait3A_483 = tpu.memref_slice %dma_wait3A_481[%run_scoped3A_352, %dma_wait3A_482] : memref<8x128xi32, #tpu.memory_space<vmem>> -> memref<1x128xi32, #tpu.memory_space<vmem>>
            %dma_wait3A_484 = tpu.memref_squeeze %dma_wait3A_483 : memref<1x128xi32, #tpu.memory_space<vmem>> -> memref<128xi32, #tpu.memory_space<vmem>>
            %dma_wait3A_485 = arith.constant 0 : i32
            %dma_wait3A_486 = arith.constant 0 : i32
            %dma_wait3A_487 = tpu.memref_slice %arg2[%dma_wait3A_485, %dma_wait3A_486] : memref<1007616x32xf32, #tpu.memory_space<hbm>> -> memref<1007616x32xf32, #tpu.memory_space<hbm>>
            tpu.wait_indirect_dma semaphore(%run_scoped3A_454 : memref<!tpu.dma_semaphore, #tpu.memory_space<semaphore_mem>>) src(%dma_wait3A_487 : memref<1007616x32xf32, #tpu.memory_space<hbm>>) dst(%dma_wait3A_477 : memref<128x32xf32, #tpu.memory_space<vmem>>)
            tpu.yield
          }) : () -> ()
          %run_scoped3A_353 = arith.constant 2 : i32
          "tpu.region"() ({
            %run_scoped3A_454 = tpu.sem_alloc : memref<!tpu.dma_semaphore, #tpu.memory_space<semaphore_mem>>
            %dma_start3A_455 = arith.constant 0 : i32
            %dma_start3A_456 = arith.constant 0 : i32
            %dma_start3A_457 = tpu.memref_slice %run_scoped3A_20[%rem3A_350, %dma_start3A_455, %dma_start3A_456] : memref<2x1024x32xf32, #tpu.memory_space<vmem>> -> memref<1x1024x32xf32, #tpu.memory_space<vmem>>
            %dma_start3A_458 = tpu.memref_squeeze %dma_start3A_457 : memref<1x1024x32xf32, #tpu.memory_space<vmem>> -> memref<1024x32xf32, #tpu.memory_space<vmem>>
            %dma_start3A_459 = arith.constant 256 : i32
            %dma_start3A_460 = arith.constant 0 : i32
            %dma_start3A_461 = tpu.memref_slice %dma_start3A_458[%dma_start3A_459, %dma_start3A_460] : memref<1024x32xf32, #tpu.memory_space<vmem>> -> memref<128x32xf32, #tpu.memory_space<vmem>>
            %dma_start3A_462 = arith.constant 0 : i32
            %dma_start3A_463 = arith.constant 0 : i32
            %dma_start3A_464 = tpu.memref_slice %run_scoped3A[%rem3A_348, %dma_start3A_462, %dma_start3A_463] : memref<2x8x128xi32, #tpu.memory_space<vmem>> -> memref<1x8x128xi32, #tpu.memory_space<vmem>>
            %dma_start3A_465 = tpu.memref_squeeze %dma_start3A_464 : memref<1x8x128xi32, #tpu.memory_space<vmem>> -> memref<8x128xi32, #tpu.memory_space<vmem>>
            %dma_start3A_466 = arith.constant 0 : i32
            %dma_start3A_467 = tpu.memref_slice %dma_start3A_465[%run_scoped3A_353, %dma_start3A_466] : memref<8x128xi32, #tpu.memory_space<vmem>> -> memref<1x128xi32, #tpu.memory_space<vmem>>
            %dma_start3A_468 = tpu.memref_squeeze %dma_start3A_467 : memref<1x128xi32, #tpu.memory_space<vmem>> -> memref<128xi32, #tpu.memory_space<vmem>>
            %dma_start3A_469 = arith.constant 0 : i32
            %dma_start3A_470 = arith.constant 0 : i32
            %dma_start3A_471 = tpu.memref_slice %arg2[%dma_start3A_469, %dma_start3A_470] : memref<1007616x32xf32, #tpu.memory_space<hbm>> -> memref<1007616x32xf32, #tpu.memory_space<hbm>>
            tpu.enqueue_indirect_dma source(%dma_start3A_471 : memref<1007616x32xf32, #tpu.memory_space<hbm>>) target(%dma_start3A_461 : memref<128x32xf32, #tpu.memory_space<vmem>>) offsets(%dma_start3A_468 : memref<128xi32, #tpu.memory_space<vmem>>) semaphore(%run_scoped3A_454 : memref<!tpu.dma_semaphore, #tpu.memory_space<semaphore_mem>>)
            %dma_wait3A = arith.constant 0 : i32
            %dma_wait3A_472 = arith.constant 0 : i32
            %dma_wait3A_473 = tpu.memref_slice %run_scoped3A_20[%rem3A_350, %dma_wait3A, %dma_wait3A_472] : memref<2x1024x32xf32, #tpu.memory_space<vmem>> -> memref<1x1024x32xf32, #tpu.memory_space<vmem>>
            %dma_wait3A_474 = tpu.memref_squeeze %dma_wait3A_473 : memref<1x1024x32xf32, #tpu.memory_space<vmem>> -> memref<1024x32xf32, #tpu.memory_space<vmem>>
            %dma_wait3A_475 = arith.constant 256 : i32
            %dma_wait3A_476 = arith.constant 0 : i32
            %dma_wait3A_477 = tpu.memref_slice %dma_wait3A_474[%dma_wait3A_475, %dma_wait3A_476] : memref<1024x32xf32, #tpu.memory_space<vmem>> -> memref<128x32xf32, #tpu.memory_space<vmem>>
            %dma_wait3A_478 = arith.constant 0 : i32
            %dma_wait3A_479 = arith.constant 0 : i32
            %dma_wait3A_480 = tpu.memref_slice %run_scoped3A[%rem3A_348, %dma_wait3A_478, %dma_wait3A_479] : memref<2x8x128xi32, #tpu.memory_space<vmem>> -> memref<1x8x128xi32, #tpu.memory_space<vmem>>
            %dma_wait3A_481 = tpu.memref_squeeze %dma_wait3A_480 : memref<1x8x128xi32, #tpu.memory_space<vmem>> -> memref<8x128xi32, #tpu.memory_space<vmem>>
            %dma_wait3A_482 = arith.constant 0 : i32
            %dma_wait3A_483 = tpu.memref_slice %dma_wait3A_481[%run_scoped3A_353, %dma_wait3A_482] : memref<8x128xi32, #tpu.memory_space<vmem>> -> memref<1x128xi32, #tpu.memory_space<vmem>>
            %dma_wait3A_484 = tpu.memref_squeeze %dma_wait3A_483 : memref<1x128xi32, #tpu.memory_space<vmem>> -> memref<128xi32, #tpu.memory_space<vmem>>
            %dma_wait3A_485 = arith.constant 0 : i32
            %dma_wait3A_486 = arith.constant 0 : i32
            %dma_wait3A_487 = tpu.memref_slice %arg2[%dma_wait3A_485, %dma_wait3A_486] : memref<1007616x32xf32, #tpu.memory_space<hbm>> -> memref<1007616x32xf32, #tpu.memory_space<hbm>>
            tpu.wait_indirect_dma semaphore(%run_scoped3A_454 : memref<!tpu.dma_semaphore, #tpu.memory_space<semaphore_mem>>) src(%dma_wait3A_487 : memref<1007616x32xf32, #tpu.memory_space<hbm>>) dst(%dma_wait3A_477 : memref<128x32xf32, #tpu.memory_space<vmem>>)
            tpu.yield
          }) : () -> ()
          %run_scoped3A_354 = arith.constant 3 : i32
          "tpu.region"() ({
            %run_scoped3A_454 = tpu.sem_alloc : memref<!tpu.dma_semaphore, #tpu.memory_space<semaphore_mem>>
            %dma_start3A_455 = arith.constant 0 : i32
            %dma_start3A_456 = arith.constant 0 : i32
            %dma_start3A_457 = tpu.memref_slice %run_scoped3A_20[%rem3A_350, %dma_start3A_455, %dma_start3A_456] : memref<2x1024x32xf32, #tpu.memory_space<vmem>> -> memref<1x1024x32xf32, #tpu.memory_space<vmem>>
            %dma_start3A_458 = tpu.memref_squeeze %dma_start3A_457 : memref<1x1024x32xf32, #tpu.memory_space<vmem>> -> memref<1024x32xf32, #tpu.memory_space<vmem>>
            %dma_start3A_459 = arith.constant 384 : i32
            %dma_start3A_460 = arith.constant 0 : i32
            %dma_start3A_461 = tpu.memref_slice %dma_start3A_458[%dma_start3A_459, %dma_start3A_460] : memref<1024x32xf32, #tpu.memory_space<vmem>> -> memref<128x32xf32, #tpu.memory_space<vmem>>
            %dma_start3A_462 = arith.constant 0 : i32
            %dma_start3A_463 = arith.constant 0 : i32
            %dma_start3A_464 = tpu.memref_slice %run_scoped3A[%rem3A_348, %dma_start3A_462, %dma_start3A_463] : memref<2x8x128xi32, #tpu.memory_space<vmem>> -> memref<1x8x128xi32, #tpu.memory_space<vmem>>
            %dma_start3A_465 = tpu.memref_squeeze %dma_start3A_464 : memref<1x8x128xi32, #tpu.memory_space<vmem>> -> memref<8x128xi32, #tpu.memory_space<vmem>>
            %dma_start3A_466 = arith.constant 0 : i32
            %dma_start3A_467 = tpu.memref_slice %dma_start3A_465[%run_scoped3A_354, %dma_start3A_466] : memref<8x128xi32, #tpu.memory_space<vmem>> -> memref<1x128xi32, #tpu.memory_space<vmem>>
            %dma_start3A_468 = tpu.memref_squeeze %dma_start3A_467 : memref<1x128xi32, #tpu.memory_space<vmem>> -> memref<128xi32, #tpu.memory_space<vmem>>
            %dma_start3A_469 = arith.constant 0 : i32
            %dma_start3A_470 = arith.constant 0 : i32
            %dma_start3A_471 = tpu.memref_slice %arg2[%dma_start3A_469, %dma_start3A_470] : memref<1007616x32xf32, #tpu.memory_space<hbm>> -> memref<1007616x32xf32, #tpu.memory_space<hbm>>
            tpu.enqueue_indirect_dma source(%dma_start3A_471 : memref<1007616x32xf32, #tpu.memory_space<hbm>>) target(%dma_start3A_461 : memref<128x32xf32, #tpu.memory_space<vmem>>) offsets(%dma_start3A_468 : memref<128xi32, #tpu.memory_space<vmem>>) semaphore(%run_scoped3A_454 : memref<!tpu.dma_semaphore, #tpu.memory_space<semaphore_mem>>)
            %dma_wait3A = arith.constant 0 : i32
            %dma_wait3A_472 = arith.constant 0 : i32
            %dma_wait3A_473 = tpu.memref_slice %run_scoped3A_20[%rem3A_350, %dma_wait3A, %dma_wait3A_472] : memref<2x1024x32xf32, #tpu.memory_space<vmem>> -> memref<1x1024x32xf32, #tpu.memory_space<vmem>>
            %dma_wait3A_474 = tpu.memref_squeeze %dma_wait3A_473 : memref<1x1024x32xf32, #tpu.memory_space<vmem>> -> memref<1024x32xf32, #tpu.memory_space<vmem>>
            %dma_wait3A_475 = arith.constant 384 : i32
            %dma_wait3A_476 = arith.constant 0 : i32
            %dma_wait3A_477 = tpu.memref_slice %dma_wait3A_474[%dma_wait3A_475, %dma_wait3A_476] : memref<1024x32xf32, #tpu.memory_space<vmem>> -> memref<128x32xf32, #tpu.memory_space<vmem>>
            %dma_wait3A_478 = arith.constant 0 : i32
            %dma_wait3A_479 = arith.constant 0 : i32
            %dma_wait3A_480 = tpu.memref_slice %run_scoped3A[%rem3A_348, %dma_wait3A_478, %dma_wait3A_479] : memref<2x8x128xi32, #tpu.memory_space<vmem>> -> memref<1x8x128xi32, #tpu.memory_space<vmem>>
            %dma_wait3A_481 = tpu.memref_squeeze %dma_wait3A_480 : memref<1x8x128xi32, #tpu.memory_space<vmem>> -> memref<8x128xi32, #tpu.memory_space<vmem>>
            %dma_wait3A_482 = arith.constant 0 : i32
            %dma_wait3A_483 = tpu.memref_slice %dma_wait3A_481[%run_scoped3A_354, %dma_wait3A_482] : memref<8x128xi32, #tpu.memory_space<vmem>> -> memref<1x128xi32, #tpu.memory_space<vmem>>
            %dma_wait3A_484 = tpu.memref_squeeze %dma_wait3A_483 : memref<1x128xi32, #tpu.memory_space<vmem>> -> memref<128xi32, #tpu.memory_space<vmem>>
            %dma_wait3A_485 = arith.constant 0 : i32
            %dma_wait3A_486 = arith.constant 0 : i32
            %dma_wait3A_487 = tpu.memref_slice %arg2[%dma_wait3A_485, %dma_wait3A_486] : memref<1007616x32xf32, #tpu.memory_space<hbm>> -> memref<1007616x32xf32, #tpu.memory_space<hbm>>
            tpu.wait_indirect_dma semaphore(%run_scoped3A_454 : memref<!tpu.dma_semaphore, #tpu.memory_space<semaphore_mem>>) src(%dma_wait3A_487 : memref<1007616x32xf32, #tpu.memory_space<hbm>>) dst(%dma_wait3A_477 : memref<128x32xf32, #tpu.memory_space<vmem>>)
            tpu.yield
          }) : () -> ()
          %run_scoped3A_355 = arith.constant 4 : i32
          "tpu.region"() ({
            %run_scoped3A_454 = tpu.sem_alloc : memref<!tpu.dma_semaphore, #tpu.memory_space<semaphore_mem>>
            %dma_start3A_455 = arith.constant 0 : i32
            %dma_start3A_456 = arith.constant 0 : i32
            %dma_start3A_457 = tpu.memref_slice %run_scoped3A_20[%rem3A_350, %dma_start3A_455, %dma_start3A_456] : memref<2x1024x32xf32, #tpu.memory_space<vmem>> -> memref<1x1024x32xf32, #tpu.memory_space<vmem>>
            %dma_start3A_458 = tpu.memref_squeeze %dma_start3A_457 : memref<1x1024x32xf32, #tpu.memory_space<vmem>> -> memref<1024x32xf32, #tpu.memory_space<vmem>>
            %dma_start3A_459 = arith.constant 512 : i32
            %dma_start3A_460 = arith.constant 0 : i32
            %dma_start3A_461 = tpu.memref_slice %dma_start3A_458[%dma_start3A_459, %dma_start3A_460] : memref<1024x32xf32, #tpu.memory_space<vmem>> -> memref<128x32xf32, #tpu.memory_space<vmem>>
            %dma_start3A_462 = arith.constant 0 : i32
            %dma_start3A_463 = arith.constant 0 : i32
            %dma_start3A_464 = tpu.memref_slice %run_scoped3A[%rem3A_348, %dma_start3A_462, %dma_start3A_463] : memref<2x8x128xi32, #tpu.memory_space<vmem>> -> memref<1x8x128xi32, #tpu.memory_space<vmem>>
            %dma_start3A_465 = tpu.memref_squeeze %dma_start3A_464 : memref<1x8x128xi32, #tpu.memory_space<vmem>> -> memref<8x128xi32, #tpu.memory_space<vmem>>
            %dma_start3A_466 = arith.constant 0 : i32
            %dma_start3A_467 = tpu.memref_slice %dma_start3A_465[%run_scoped3A_355, %dma_start3A_466] : memref<8x128xi32, #tpu.memory_space<vmem>> -> memref<1x128xi32, #tpu.memory_space<vmem>>
            %dma_start3A_468 = tpu.memref_squeeze %dma_start3A_467 : memref<1x128xi32, #tpu.memory_space<vmem>> -> memref<128xi32, #tpu.memory_space<vmem>>
            %dma_start3A_469 = arith.constant 0 : i32
            %dma_start3A_470 = arith.constant 0 : i32
            %dma_start3A_471 = tpu.memref_slice %arg2[%dma_start3A_469, %dma_start3A_470] : memref<1007616x32xf32, #tpu.memory_space<hbm>> -> memref<1007616x32xf32, #tpu.memory_space<hbm>>
            tpu.enqueue_indirect_dma source(%dma_start3A_471 : memref<1007616x32xf32, #tpu.memory_space<hbm>>) target(%dma_start3A_461 : memref<128x32xf32, #tpu.memory_space<vmem>>) offsets(%dma_start3A_468 : memref<128xi32, #tpu.memory_space<vmem>>) semaphore(%run_scoped3A_454 : memref<!tpu.dma_semaphore, #tpu.memory_space<semaphore_mem>>)
            %dma_wait3A = arith.constant 0 : i32
            %dma_wait3A_472 = arith.constant 0 : i32
            %dma_wait3A_473 = tpu.memref_slice %run_scoped3A_20[%rem3A_350, %dma_wait3A, %dma_wait3A_472] : memref<2x1024x32xf32, #tpu.memory_space<vmem>> -> memref<1x1024x32xf32, #tpu.memory_space<vmem>>
            %dma_wait3A_474 = tpu.memref_squeeze %dma_wait3A_473 : memref<1x1024x32xf32, #tpu.memory_space<vmem>> -> memref<1024x32xf32, #tpu.memory_space<vmem>>
            %dma_wait3A_475 = arith.constant 512 : i32
            %dma_wait3A_476 = arith.constant 0 : i32
            %dma_wait3A_477 = tpu.memref_slice %dma_wait3A_474[%dma_wait3A_475, %dma_wait3A_476] : memref<1024x32xf32, #tpu.memory_space<vmem>> -> memref<128x32xf32, #tpu.memory_space<vmem>>
            %dma_wait3A_478 = arith.constant 0 : i32
            %dma_wait3A_479 = arith.constant 0 : i32
            %dma_wait3A_480 = tpu.memref_slice %run_scoped3A[%rem3A_348, %dma_wait3A_478, %dma_wait3A_479] : memref<2x8x128xi32, #tpu.memory_space<vmem>> -> memref<1x8x128xi32, #tpu.memory_space<vmem>>
            %dma_wait3A_481 = tpu.memref_squeeze %dma_wait3A_480 : memref<1x8x128xi32, #tpu.memory_space<vmem>> -> memref<8x128xi32, #tpu.memory_space<vmem>>
            %dma_wait3A_482 = arith.constant 0 : i32
            %dma_wait3A_483 = tpu.memref_slice %dma_wait3A_481[%run_scoped3A_355, %dma_wait3A_482] : memref<8x128xi32, #tpu.memory_space<vmem>> -> memref<1x128xi32, #tpu.memory_space<vmem>>
            %dma_wait3A_484 = tpu.memref_squeeze %dma_wait3A_483 : memref<1x128xi32, #tpu.memory_space<vmem>> -> memref<128xi32, #tpu.memory_space<vmem>>
            %dma_wait3A_485 = arith.constant 0 : i32
            %dma_wait3A_486 = arith.constant 0 : i32
            %dma_wait3A_487 = tpu.memref_slice %arg2[%dma_wait3A_485, %dma_wait3A_486] : memref<1007616x32xf32, #tpu.memory_space<hbm>> -> memref<1007616x32xf32, #tpu.memory_space<hbm>>
            tpu.wait_indirect_dma semaphore(%run_scoped3A_454 : memref<!tpu.dma_semaphore, #tpu.memory_space<semaphore_mem>>) src(%dma_wait3A_487 : memref<1007616x32xf32, #tpu.memory_space<hbm>>) dst(%dma_wait3A_477 : memref<128x32xf32, #tpu.memory_space<vmem>>)
            tpu.yield
          }) : () -> ()
          %run_scoped3A_356 = arith.constant 5 : i32
          "tpu.region"() ({
            %run_scoped3A_454 = tpu.sem_alloc : memref<!tpu.dma_semaphore, #tpu.memory_space<semaphore_mem>>
            %dma_start3A_455 = arith.constant 0 : i32
            %dma_start3A_456 = arith.constant 0 : i32
            %dma_start3A_457 = tpu.memref_slice %run_scoped3A_20[%rem3A_350, %dma_start3A_455, %dma_start3A_456] : memref<2x1024x32xf32, #tpu.memory_space<vmem>> -> memref<1x1024x32xf32, #tpu.memory_space<vmem>>
            %dma_start3A_458 = tpu.memref_squeeze %dma_start3A_457 : memref<1x1024x32xf32, #tpu.memory_space<vmem>> -> memref<1024x32xf32, #tpu.memory_space<vmem>>
            %dma_start3A_459 = arith.constant 640 : i32
            %dma_start3A_460 = arith.constant 0 : i32
            %dma_start3A_461 = tpu.memref_slice %dma_start3A_458[%dma_start3A_459, %dma_start3A_460] : memref<1024x32xf32, #tpu.memory_space<vmem>> -> memref<128x32xf32, #tpu.memory_space<vmem>>
            %dma_start3A_462 = arith.constant 0 : i32
            %dma_start3A_463 = arith.constant 0 : i32
            %dma_start3A_464 = tpu.memref_slice %run_scoped3A[%rem3A_348, %dma_start3A_462, %dma_start3A_463] : memref<2x8x128xi32, #tpu.memory_space<vmem>> -> memref<1x8x128xi32, #tpu.memory_space<vmem>>
            %dma_start3A_465 = tpu.memref_squeeze %dma_start3A_464 : memref<1x8x128xi32, #tpu.memory_space<vmem>> -> memref<8x128xi32, #tpu.memory_space<vmem>>
            %dma_start3A_466 = arith.constant 0 : i32
            %dma_start3A_467 = tpu.memref_slice %dma_start3A_465[%run_scoped3A_356, %dma_start3A_466] : memref<8x128xi32, #tpu.memory_space<vmem>> -> memref<1x128xi32, #tpu.memory_space<vmem>>
            %dma_start3A_468 = tpu.memref_squeeze %dma_start3A_467 : memref<1x128xi32, #tpu.memory_space<vmem>> -> memref<128xi32, #tpu.memory_space<vmem>>
            %dma_start3A_469 = arith.constant 0 : i32
            %dma_start3A_470 = arith.constant 0 : i32
            %dma_start3A_471 = tpu.memref_slice %arg2[%dma_start3A_469, %dma_start3A_470] : memref<1007616x32xf32, #tpu.memory_space<hbm>> -> memref<1007616x32xf32, #tpu.memory_space<hbm>>
            tpu.enqueue_indirect_dma source(%dma_start3A_471 : memref<1007616x32xf32, #tpu.memory_space<hbm>>) target(%dma_start3A_461 : memref<128x32xf32, #tpu.memory_space<vmem>>) offsets(%dma_start3A_468 : memref<128xi32, #tpu.memory_space<vmem>>) semaphore(%run_scoped3A_454 : memref<!tpu.dma_semaphore, #tpu.memory_space<semaphore_mem>>)
            %dma_wait3A = arith.constant 0 : i32
            %dma_wait3A_472 = arith.constant 0 : i32
            %dma_wait3A_473 = tpu.memref_slice %run_scoped3A_20[%rem3A_350, %dma_wait3A, %dma_wait3A_472] : memref<2x1024x32xf32, #tpu.memory_space<vmem>> -> memref<1x1024x32xf32, #tpu.memory_space<vmem>>
            %dma_wait3A_474 = tpu.memref_squeeze %dma_wait3A_473 : memref<1x1024x32xf32, #tpu.memory_space<vmem>> -> memref<1024x32xf32, #tpu.memory_space<vmem>>
            %dma_wait3A_475 = arith.constant 640 : i32
            %dma_wait3A_476 = arith.constant 0 : i32
            %dma_wait3A_477 = tpu.memref_slice %dma_wait3A_474[%dma_wait3A_475, %dma_wait3A_476] : memref<1024x32xf32, #tpu.memory_space<vmem>> -> memref<128x32xf32, #tpu.memory_space<vmem>>
            %dma_wait3A_478 = arith.constant 0 : i32
            %dma_wait3A_479 = arith.constant 0 : i32
            %dma_wait3A_480 = tpu.memref_slice %run_scoped3A[%rem3A_348, %dma_wait3A_478, %dma_wait3A_479] : memref<2x8x128xi32, #tpu.memory_space<vmem>> -> memref<1x8x128xi32, #tpu.memory_space<vmem>>
            %dma_wait3A_481 = tpu.memref_squeeze %dma_wait3A_480 : memref<1x8x128xi32, #tpu.memory_space<vmem>> -> memref<8x128xi32, #tpu.memory_space<vmem>>
            %dma_wait3A_482 = arith.constant 0 : i32
            %dma_wait3A_483 = tpu.memref_slice %dma_wait3A_481[%run_scoped3A_356, %dma_wait3A_482] : memref<8x128xi32, #tpu.memory_space<vmem>> -> memref<1x128xi32, #tpu.memory_space<vmem>>
            %dma_wait3A_484 = tpu.memref_squeeze %dma_wait3A_483 : memref<1x128xi32, #tpu.memory_space<vmem>> -> memref<128xi32, #tpu.memory_space<vmem>>
            %dma_wait3A_485 = arith.constant 0 : i32
            %dma_wait3A_486 = arith.constant 0 : i32
            %dma_wait3A_487 = tpu.memref_slice %arg2[%dma_wait3A_485, %dma_wait3A_486] : memref<1007616x32xf32, #tpu.memory_space<hbm>> -> memref<1007616x32xf32, #tpu.memory_space<hbm>>
            tpu.wait_indirect_dma semaphore(%run_scoped3A_454 : memref<!tpu.dma_semaphore, #tpu.memory_space<semaphore_mem>>) src(%dma_wait3A_487 : memref<1007616x32xf32, #tpu.memory_space<hbm>>) dst(%dma_wait3A_477 : memref<128x32xf32, #tpu.memory_space<vmem>>)
            tpu.yield
          }) : () -> ()
          %run_scoped3A_357 = arith.constant 6 : i32
          "tpu.region"() ({
            %run_scoped3A_454 = tpu.sem_alloc : memref<!tpu.dma_semaphore, #tpu.memory_space<semaphore_mem>>
            %dma_start3A_455 = arith.constant 0 : i32
            %dma_start3A_456 = arith.constant 0 : i32
            %dma_start3A_457 = tpu.memref_slice %run_scoped3A_20[%rem3A_350, %dma_start3A_455, %dma_start3A_456] : memref<2x1024x32xf32, #tpu.memory_space<vmem>> -> memref<1x1024x32xf32, #tpu.memory_space<vmem>>
            %dma_start3A_458 = tpu.memref_squeeze %dma_start3A_457 : memref<1x1024x32xf32, #tpu.memory_space<vmem>> -> memref<1024x32xf32, #tpu.memory_space<vmem>>
            %dma_start3A_459 = arith.constant 768 : i32
            %dma_start3A_460 = arith.constant 0 : i32
            %dma_start3A_461 = tpu.memref_slice %dma_start3A_458[%dma_start3A_459, %dma_start3A_460] : memref<1024x32xf32, #tpu.memory_space<vmem>> -> memref<128x32xf32, #tpu.memory_space<vmem>>
            %dma_start3A_462 = arith.constant 0 : i32
            %dma_start3A_463 = arith.constant 0 : i32
            %dma_start3A_464 = tpu.memref_slice %run_scoped3A[%rem3A_348, %dma_start3A_462, %dma_start3A_463] : memref<2x8x128xi32, #tpu.memory_space<vmem>> -> memref<1x8x128xi32, #tpu.memory_space<vmem>>
            %dma_start3A_465 = tpu.memref_squeeze %dma_start3A_464 : memref<1x8x128xi32, #tpu.memory_space<vmem>> -> memref<8x128xi32, #tpu.memory_space<vmem>>
            %dma_start3A_466 = arith.constant 0 : i32
            %dma_start3A_467 = tpu.memref_slice %dma_start3A_465[%run_scoped3A_357, %dma_start3A_466] : memref<8x128xi32, #tpu.memory_space<vmem>> -> memref<1x128xi32, #tpu.memory_space<vmem>>
            %dma_start3A_468 = tpu.memref_squeeze %dma_start3A_467 : memref<1x128xi32, #tpu.memory_space<vmem>> -> memref<128xi32, #tpu.memory_space<vmem>>
            %dma_start3A_469 = arith.constant 0 : i32
            %dma_start3A_470 = arith.constant 0 : i32
            %dma_start3A_471 = tpu.memref_slice %arg2[%dma_start3A_469, %dma_start3A_470] : memref<1007616x32xf32, #tpu.memory_space<hbm>> -> memref<1007616x32xf32, #tpu.memory_space<hbm>>
            tpu.enqueue_indirect_dma source(%dma_start3A_471 : memref<1007616x32xf32, #tpu.memory_space<hbm>>) target(%dma_start3A_461 : memref<128x32xf32, #tpu.memory_space<vmem>>) offsets(%dma_start3A_468 : memref<128xi32, #tpu.memory_space<vmem>>) semaphore(%run_scoped3A_454 : memref<!tpu.dma_semaphore, #tpu.memory_space<semaphore_mem>>)
            %dma_wait3A = arith.constant 0 : i32
            %dma_wait3A_472 = arith.constant 0 : i32
            %dma_wait3A_473 = tpu.memref_slice %run_scoped3A_20[%rem3A_350, %dma_wait3A, %dma_wait3A_472] : memref<2x1024x32xf32, #tpu.memory_space<vmem>> -> memref<1x1024x32xf32, #tpu.memory_space<vmem>>
            %dma_wait3A_474 = tpu.memref_squeeze %dma_wait3A_473 : memref<1x1024x32xf32, #tpu.memory_space<vmem>> -> memref<1024x32xf32, #tpu.memory_space<vmem>>
            %dma_wait3A_475 = arith.constant 768 : i32
            %dma_wait3A_476 = arith.constant 0 : i32
            %dma_wait3A_477 = tpu.memref_slice %dma_wait3A_474[%dma_wait3A_475, %dma_wait3A_476] : memref<1024x32xf32, #tpu.memory_space<vmem>> -> memref<128x32xf32, #tpu.memory_space<vmem>>
            %dma_wait3A_478 = arith.constant 0 : i32
            %dma_wait3A_479 = arith.constant 0 : i32
            %dma_wait3A_480 = tpu.memref_slice %run_scoped3A[%rem3A_348, %dma_wait3A_478, %dma_wait3A_479] : memref<2x8x128xi32, #tpu.memory_space<vmem>> -> memref<1x8x128xi32, #tpu.memory_space<vmem>>
            %dma_wait3A_481 = tpu.memref_squeeze %dma_wait3A_480 : memref<1x8x128xi32, #tpu.memory_space<vmem>> -> memref<8x128xi32, #tpu.memory_space<vmem>>
            %dma_wait3A_482 = arith.constant 0 : i32
            %dma_wait3A_483 = tpu.memref_slice %dma_wait3A_481[%run_scoped3A_357, %dma_wait3A_482] : memref<8x128xi32, #tpu.memory_space<vmem>> -> memref<1x128xi32, #tpu.memory_space<vmem>>
            %dma_wait3A_484 = tpu.memref_squeeze %dma_wait3A_483 : memref<1x128xi32, #tpu.memory_space<vmem>> -> memref<128xi32, #tpu.memory_space<vmem>>
            %dma_wait3A_485 = arith.constant 0 : i32
            %dma_wait3A_486 = arith.constant 0 : i32
            %dma_wait3A_487 = tpu.memref_slice %arg2[%dma_wait3A_485, %dma_wait3A_486] : memref<1007616x32xf32, #tpu.memory_space<hbm>> -> memref<1007616x32xf32, #tpu.memory_space<hbm>>
            tpu.wait_indirect_dma semaphore(%run_scoped3A_454 : memref<!tpu.dma_semaphore, #tpu.memory_space<semaphore_mem>>) src(%dma_wait3A_487 : memref<1007616x32xf32, #tpu.memory_space<hbm>>) dst(%dma_wait3A_477 : memref<128x32xf32, #tpu.memory_space<vmem>>)
            tpu.yield
          }) : () -> ()
          %run_scoped3A_358 = arith.constant 7 : i32
          "tpu.region"() ({
            %run_scoped3A_454 = tpu.sem_alloc : memref<!tpu.dma_semaphore, #tpu.memory_space<semaphore_mem>>
            %dma_start3A_455 = arith.constant 0 : i32
            %dma_start3A_456 = arith.constant 0 : i32
            %dma_start3A_457 = tpu.memref_slice %run_scoped3A_20[%rem3A_350, %dma_start3A_455, %dma_start3A_456] : memref<2x1024x32xf32, #tpu.memory_space<vmem>> -> memref<1x1024x32xf32, #tpu.memory_space<vmem>>
            %dma_start3A_458 = tpu.memref_squeeze %dma_start3A_457 : memref<1x1024x32xf32, #tpu.memory_space<vmem>> -> memref<1024x32xf32, #tpu.memory_space<vmem>>
            %dma_start3A_459 = arith.constant 896 : i32
            %dma_start3A_460 = arith.constant 0 : i32
            %dma_start3A_461 = tpu.memref_slice %dma_start3A_458[%dma_start3A_459, %dma_start3A_460] : memref<1024x32xf32, #tpu.memory_space<vmem>> -> memref<128x32xf32, #tpu.memory_space<vmem>>
            %dma_start3A_462 = arith.constant 0 : i32
            %dma_start3A_463 = arith.constant 0 : i32
            %dma_start3A_464 = tpu.memref_slice %run_scoped3A[%rem3A_348, %dma_start3A_462, %dma_start3A_463] : memref<2x8x128xi32, #tpu.memory_space<vmem>> -> memref<1x8x128xi32, #tpu.memory_space<vmem>>
            %dma_start3A_465 = tpu.memref_squeeze %dma_start3A_464 : memref<1x8x128xi32, #tpu.memory_space<vmem>> -> memref<8x128xi32, #tpu.memory_space<vmem>>
            %dma_start3A_466 = arith.constant 0 : i32
            %dma_start3A_467 = tpu.memref_slice %dma_start3A_465[%run_scoped3A_358, %dma_start3A_466] : memref<8x128xi32, #tpu.memory_space<vmem>> -> memref<1x128xi32, #tpu.memory_space<vmem>>
            %dma_start3A_468 = tpu.memref_squeeze %dma_start3A_467 : memref<1x128xi32, #tpu.memory_space<vmem>> -> memref<128xi32, #tpu.memory_space<vmem>>
            %dma_start3A_469 = arith.constant 0 : i32
            %dma_start3A_470 = arith.constant 0 : i32
            %dma_start3A_471 = tpu.memref_slice %arg2[%dma_start3A_469, %dma_start3A_470] : memref<1007616x32xf32, #tpu.memory_space<hbm>> -> memref<1007616x32xf32, #tpu.memory_space<hbm>>
            tpu.enqueue_indirect_dma source(%dma_start3A_471 : memref<1007616x32xf32, #tpu.memory_space<hbm>>) target(%dma_start3A_461 : memref<128x32xf32, #tpu.memory_space<vmem>>) offsets(%dma_start3A_468 : memref<128xi32, #tpu.memory_space<vmem>>) semaphore(%run_scoped3A_454 : memref<!tpu.dma_semaphore, #tpu.memory_space<semaphore_mem>>)
            %dma_wait3A = arith.constant 0 : i32
            %dma_wait3A_472 = arith.constant 0 : i32
            %dma_wait3A_473 = tpu.memref_slice %run_scoped3A_20[%rem3A_350, %dma_wait3A, %dma_wait3A_472] : memref<2x1024x32xf32, #tpu.memory_space<vmem>> -> memref<1x1024x32xf32, #tpu.memory_space<vmem>>
            %dma_wait3A_474 = tpu.memref_squeeze %dma_wait3A_473 : memref<1x1024x32xf32, #tpu.memory_space<vmem>> -> memref<1024x32xf32, #tpu.memory_space<vmem>>
            %dma_wait3A_475 = arith.constant 896 : i32
            %dma_wait3A_476 = arith.constant 0 : i32
            %dma_wait3A_477 = tpu.memref_slice %dma_wait3A_474[%dma_wait3A_475, %dma_wait3A_476] : memref<1024x32xf32, #tpu.memory_space<vmem>> -> memref<128x32xf32, #tpu.memory_space<vmem>>
            %dma_wait3A_478 = arith.constant 0 : i32
            %dma_wait3A_479 = arith.constant 0 : i32
            %dma_wait3A_480 = tpu.memref_slice %run_scoped3A[%rem3A_348, %dma_wait3A_478, %dma_wait3A_479] : memref<2x8x128xi32, #tpu.memory_space<vmem>> -> memref<1x8x128xi32, #tpu.memory_space<vmem>>
            %dma_wait3A_481 = tpu.memref_squeeze %dma_wait3A_480 : memref<1x8x128xi32, #tpu.memory_space<vmem>> -> memref<8x128xi32, #tpu.memory_space<vmem>>
            %dma_wait3A_482 = arith.constant 0 : i32
            %dma_wait3A_483 = tpu.memref_slice %dma_wait3A_481[%run_scoped3A_358, %dma_wait3A_482] : memref<8x128xi32, #tpu.memory_space<vmem>> -> memref<1x128xi32, #tpu.memory_space<vmem>>
            %dma_wait3A_484 = tpu.memref_squeeze %dma_wait3A_483 : memref<1x128xi32, #tpu.memory_space<vmem>> -> memref<128xi32, #tpu.memory_space<vmem>>
            %dma_wait3A_485 = arith.constant 0 : i32
            %dma_wait3A_486 = arith.constant 0 : i32
            %dma_wait3A_487 = tpu.memref_slice %arg2[%dma_wait3A_485, %dma_wait3A_486] : memref<1007616x32xf32, #tpu.memory_space<hbm>> -> memref<1007616x32xf32, #tpu.memory_space<hbm>>
            tpu.wait_indirect_dma semaphore(%run_scoped3A_454 : memref<!tpu.dma_semaphore, #tpu.memory_space<semaphore_mem>>) src(%dma_wait3A_487 : memref<1007616x32xf32, #tpu.memory_space<hbm>>) dst(%dma_wait3A_477 : memref<128x32xf32, #tpu.memory_space<vmem>>)
            tpu.yield
          }) : () -> ()
          "tpu.trace_stop"() : () -> ()
          %mul3A_359 = arith.constant 4 : i32
          %mul3A_360 = arith.muli %add3A_232, %mul3A_359 : i32
          %add3A_361 = arith.addi %mul3A_360, %add3A_234 : i32
          %mul3A_362 = arith.constant 4 : i32
          %mul3A_363 = arith.muli %add3A_268, %mul3A_362 : i32
          %add3A_364 = arith.addi %mul3A_363, %add3A_270 : i32
          %ne3A_365 = arith.cmpi ne, %add3A_361, %add3A_364 : i32
          %or3A_366 = arith.constant false
          %or3A_367 = arith.ori %or3A_366, %ne3A_365 : i1
          %or3A_368 = arith.constant false
          %or3A_369 = arith.ori %or3A_367, %or3A_368 : i1
          %or3A_370 = arith.ori %or3A_369, %eq3A_231 : i1
          %convert_element_type3A_371 = arith.extui %or3A_370 : i1 to i32
          %cond3A_372 = arith.constant 0 : i32
          %cond3A_373 = arith.cmpi ne, %convert_element_type3A_371, %cond3A_372 : i32
          scf.if %cond3A_373 {
          } else {
          }
          %and3A_374 = arith.constant false
          %and3A_375 = arith.andi %or3A_370, %and3A_374 : i1
          %ne3A_376 = arith.cmpi ne, %add3A_232, %add3A_268 : i32
          %ne3A_377 = arith.cmpi ne, %add3A_234, %add3A_270 : i32
          %or3A_378 = arith.constant false
          %or3A_379 = arith.ori %or3A_378, %ne3A_376 : i1
          %or3A_380 = arith.ori %or3A_379, %ne3A_377 : i1
          %or3A_381 = arith.ori %or3A_380, %eq3A_231 : i1
          %convert_element_type3A_382 = arith.extui %or3A_381 : i1 to i32
          %cond3A_383 = arith.constant 0 : i32
          %cond3A_384 = arith.cmpi ne, %convert_element_type3A_382, %cond3A_383 : i32
          scf.if %cond3A_384 {
            "tpu.trace_start"() <{level = 10 : i32, message = "ep_copy_out"}> : () -> ()
            %rem3A_454 = arith.constant 2 : i32
            %rem3A_455 = arith.remui %while3A_219, %rem3A_454 : i32
            %mul3A_456 = arith.constant 1024 : i32
            %mul3A_457 = arith.muli %mul3A_456, %add3A_232 : i32
            %mul3A_458 = arith.constant 32 : i32
            %mul3A_459 = arith.muli %mul3A_458, %add3A_234 : i32
            %dma_start3A_460 = arith.constant 0 : i32
            %dma_start3A_461 = arith.constant 0 : i32
            %dma_start3A_462 = tpu.memref_slice %run_scoped3A_20[%rem3A_455, %dma_start3A_460, %dma_start3A_461] : memref<2x1024x32xf32, #tpu.memory_space<vmem>> -> memref<1x1024x32xf32, #tpu.memory_space<vmem>>
            %dma_start3A_463 = tpu.memref_squeeze %dma_start3A_462 : memref<1x1024x32xf32, #tpu.memory_space<vmem>> -> memref<1024x32xf32, #tpu.memory_space<vmem>>
            %dma_start3A_464 = tpu.memref_slice %arg4[%mul3A_457, %mul3A_459] : memref<204800x128xf32, #tpu.memory_space<hbm>> -> memref<1024x32xf32, #tpu.memory_space<hbm>>
            %dma_start3A_465 = tpu.memref_slice %run_scoped3A_21[%rem3A_455] : memref<2x!tpu.dma_semaphore, #tpu.memory_space<semaphore_mem>> -> memref<1x!tpu.dma_semaphore, #tpu.memory_space<semaphore_mem>>
            %dma_start3A_466 = tpu.memref_squeeze %dma_start3A_465 : memref<1x!tpu.dma_semaphore, #tpu.memory_space<semaphore_mem>> -> memref<!tpu.dma_semaphore, #tpu.memory_space<semaphore_mem>>
            %dma_start3A_467 = tpu.memref_slice %arg4[%mul3A_457, %mul3A_459] : memref<204800x128xf32, #tpu.memory_space<hbm>> -> memref<1024x32xf32, #tpu.memory_space<hbm>>
            %dma_start3A_468 = arith.constant 0 : i32
            %dma_start3A_469 = arith.constant 0 : i32
            %dma_start3A_470 = tpu.memref_slice %run_scoped3A_20[%rem3A_455, %dma_start3A_468, %dma_start3A_469] : memref<2x1024x32xf32, #tpu.memory_space<vmem>> -> memref<1x1024x32xf32, #tpu.memory_space<vmem>>
            %dma_start3A_471 = tpu.memref_squeeze %dma_start3A_470 : memref<1x1024x32xf32, #tpu.memory_space<vmem>> -> memref<1024x32xf32, #tpu.memory_space<vmem>>
            tpu.enqueue_dma source(%dma_start3A_471 : memref<1024x32xf32, #tpu.memory_space<vmem>>) target(%dma_start3A_467 : memref<1024x32xf32, #tpu.memory_space<hbm>>) target_semaphore(%dma_start3A_466 : memref<!tpu.dma_semaphore, #tpu.memory_space<semaphore_mem>>)
            "tpu.trace_stop"() : () -> ()
          } else {
          }
          %and3A_385 = arith.constant true
          %and3A_386 = arith.andi %or3A_381, %and3A_385 : i1
          %add3A_387 = arith.constant 1 : i32
          %add3A_388 = arith.addi %while3A_219, %add3A_387 : i32
          %select_n3A_389 = arith.select %and3A_386, %add3A_388, %while3A_219 : i32
          %mul3A_390 = arith.constant 4 : i32
          %mul3A_391 = arith.muli %add3A_232, %mul3A_390 : i32
          %add3A_392 = arith.addi %mul3A_391, %add3A_234 : i32
          %mul3A_393 = arith.constant 4 : i32
          %mul3A_394 = arith.muli %add3A_251, %mul3A_393 : i32
          %add3A_395 = arith.addi %mul3A_394, %add3A_253 : i32
          %ne3A_396 = arith.cmpi ne, %add3A_392, %add3A_395 : i32
          %or3A_397 = arith.constant false
          %or3A_398 = arith.ori %or3A_397, %ne3A_396 : i1
          %or3A_399 = arith.constant false
          %or3A_400 = arith.ori %or3A_398, %or3A_399 : i1
          %not3A_401 = arith.constant true
          %not3A_402 = arith.xori %eq3A_228, %not3A_401 : i1
          %and3A_403 = arith.andi %or3A_400, %not3A_402 : i1
          %convert_element_type3A_404 = arith.extui %and3A_403 : i1 to i32
          %cond3A_405 = arith.constant 0 : i32
          %cond3A_406 = arith.cmpi ne, %convert_element_type3A_404, %cond3A_405 : i32
          scf.if %cond3A_406 {
          } else {
          }
          %and3A_407 = arith.constant false
          %and3A_408 = arith.andi %and3A_403, %and3A_407 : i1
          %ne3A_409 = arith.cmpi ne, %add3A_232, %add3A_251 : i32
          %ne3A_410 = arith.cmpi ne, %add3A_234, %add3A_253 : i32
          %or3A_411 = arith.constant false
          %or3A_412 = arith.ori %or3A_411, %ne3A_409 : i1
          %or3A_413 = arith.ori %or3A_412, %ne3A_410 : i1
          %not3A_414 = arith.constant true
          %not3A_415 = arith.xori %eq3A_228, %not3A_414 : i1
          %and3A_416 = arith.andi %or3A_413, %not3A_415 : i1
          %convert_element_type3A_417 = arith.extui %and3A_416 : i1 to i32
          %cond3A_418 = arith.constant 0 : i32
          %cond3A_419 = arith.cmpi ne, %convert_element_type3A_417, %cond3A_418 : i32
          scf.if %cond3A_419 {
            "tpu.trace_start"() <{level = 10 : i32, message = "ep_wait_out"}> : () -> ()
            %rem3A_454 = arith.constant 2 : i32
            %rem3A_455 = arith.remui %while3A_220, %rem3A_454 : i32
            %mul3A_456 = arith.constant 1024 : i32
            %mul3A_457 = arith.muli %mul3A_456, %add3A_251 : i32
            %mul3A_458 = arith.constant 32 : i32
            %mul3A_459 = arith.muli %mul3A_458, %add3A_253 : i32
            %dma_wait3A = arith.constant 0 : i32
            %dma_wait3A_460 = arith.constant 0 : i32
            %dma_wait3A_461 = tpu.memref_slice %run_scoped3A_20[%rem3A_455, %dma_wait3A, %dma_wait3A_460] : memref<2x1024x32xf32, #tpu.memory_space<vmem>> -> memref<1x1024x32xf32, #tpu.memory_space<vmem>>
            %dma_wait3A_462 = tpu.memref_squeeze %dma_wait3A_461 : memref<1x1024x32xf32, #tpu.memory_space<vmem>> -> memref<1024x32xf32, #tpu.memory_space<vmem>>
            %dma_wait3A_463 = tpu.memref_slice %arg4[%mul3A_457, %mul3A_459] : memref<204800x128xf32, #tpu.memory_space<hbm>> -> memref<1024x32xf32, #tpu.memory_space<hbm>>
            %dma_wait3A_464 = tpu.memref_slice %run_scoped3A_21[%rem3A_455] : memref<2x!tpu.dma_semaphore, #tpu.memory_space<semaphore_mem>> -> memref<1x!tpu.dma_semaphore, #tpu.memory_space<semaphore_mem>>
            %dma_wait3A_465 = tpu.memref_squeeze %dma_wait3A_464 : memref<1x!tpu.dma_semaphore, #tpu.memory_space<semaphore_mem>> -> memref<!tpu.dma_semaphore, #tpu.memory_space<semaphore_mem>>
            %dma_wait3A_466 = tpu.memref_slice %arg4[%mul3A_457, %mul3A_459] : memref<204800x128xf32, #tpu.memory_space<hbm>> -> memref<1024x32xf32, #tpu.memory_space<hbm>>
            %dma_wait3A_467 = arith.constant 0 : i32
            %dma_wait3A_468 = arith.constant 0 : i32
            %dma_wait3A_469 = tpu.memref_slice %run_scoped3A_20[%rem3A_455, %dma_wait3A_467, %dma_wait3A_468] : memref<2x1024x32xf32, #tpu.memory_space<vmem>> -> memref<1x1024x32xf32, #tpu.memory_space<vmem>>
            %dma_wait3A_470 = tpu.memref_squeeze %dma_wait3A_469 : memref<1x1024x32xf32, #tpu.memory_space<vmem>> -> memref<1024x32xf32, #tpu.memory_space<vmem>>
            tpu.wait_dma2 semaphore(%dma_wait3A_465 : memref<!tpu.dma_semaphore, #tpu.memory_space<semaphore_mem>>) src(%dma_wait3A_470 : memref<1024x32xf32, #tpu.memory_space<vmem>>) dst(%dma_wait3A_466 : memref<1024x32xf32, #tpu.memory_space<hbm>>)
            "tpu.trace_stop"() : () -> ()
          } else {
          }
          %and3A_420 = arith.constant true
          %and3A_421 = arith.andi %and3A_416, %and3A_420 : i1
          %add3A_422 = arith.constant 1 : i32
          %add3A_423 = arith.addi %while3A_220, %add3A_422 : i32
          %select_n3A_424 = arith.select %and3A_421, %add3A_423, %while3A_220 : i32
          %mul3A_425 = arith.constant 4 : i32
          %mul3A_426 = arith.muli %add3A_232, %mul3A_425 : i32
          %add3A_427 = arith.addi %mul3A_426, %add3A_234 : i32
          %mul3A_428 = arith.constant 4 : i32
          %mul3A_429 = arith.muli %add3A_268, %mul3A_428 : i32
          %add3A_430 = arith.addi %mul3A_429, %add3A_270 : i32
          %ne3A_431 = arith.cmpi ne, %add3A_427, %add3A_430 : i32
          %or3A_432 = arith.constant false
          %or3A_433 = arith.ori %or3A_432, %ne3A_431 : i1
          %or3A_434 = arith.constant false
          %or3A_435 = arith.ori %or3A_433, %or3A_434 : i1
          %or3A_436 = arith.ori %or3A_435, %eq3A_231 : i1
          %add3A_437 = arith.constant 1 : i32
          %add3A_438 = arith.addi %while3A_218, %add3A_437 : i32
          %select_n3A_439 = arith.select %or3A_436, %add3A_438, %while3A_218 : i32
          %add3A_440 = arith.constant 1 : i32
          %add3A_441 = arith.addi %while3A_222, %add3A_440 : i32
          %select_n3A_442 = arith.constant true
          %select_n3A_443 = arith.select %select_n3A_442, %add3A_441, %while3A_222 : i32
          %eq3A_444 = arith.constant 4 : i32
          %eq3A_445 = arith.cmpi eq, %select_n3A_443, %eq3A_444 : i32
          %select_n3A_446 = arith.constant 0 : i32
          %select_n3A_447 = arith.select %eq3A_445, %select_n3A_446, %select_n3A_443 : i32
          %add3A_448 = arith.constant 1 : i32
          %add3A_449 = arith.addi %while3A_221, %add3A_448 : i32
          %select_n3A_450 = arith.select %eq3A_445, %add3A_449, %while3A_221 : i32
          %eq3A_451 = arith.cmpi eq, %select_n3A_450, %select_n3A : i32
          %select_n3A_452 = arith.constant 0 : i32
          %select_n3A_453 = arith.select %eq3A_451, %select_n3A_452, %select_n3A_450 : i32
          scf.yield %select_n3A_309, %select_n3A_439, %select_n3A_389, %select_n3A_424, %select_n3A_453, %select_n3A_447 : i32, i32, i32, i32, i32, i32
        }
        %while3A_125 = arith.constant 1 : i32
        %while3A_126:6 = scf.for %while3A_216 = %while3A_122 to %while3A_118 step %while3A_125 iter_args(%while3A_217 = %while3A_124#0, %while3A_218 = %while3A_124#1, %while3A_219 = %while3A_124#2, %while3A_220 = %while3A_124#3, %while3A_221 = %while3A_124#4, %while3A_222 = %while3A_124#5) -> (i32, i32, i32, i32, i32, i32)  : i32 {
          %mul3A_223 = arith.constant 1 : i32
          %mul3A_224 = arith.muli %mul3A_223, %select_n3A : i32
          %mul3A_225 = arith.constant 4 : i32
          %mul3A_226 = arith.muli %mul3A_224, %mul3A_225 : i32
          %eq3A_227 = arith.constant 0 : i32
          %eq3A_228 = arith.cmpi eq, %while3A_216, %eq3A_227 : i32
          %sub3A_229 = arith.constant 1 : i32
          %sub3A_230 = arith.subi %mul3A_226, %sub3A_229 : i32
          %eq3A_231 = arith.cmpi eq, %while3A_216, %sub3A_230 : i32
          %add3A_232 = arith.addi %while3A_221, %select_n3A_14 : i32
          %add3A_233 = arith.constant 0 : i32
          %add3A_234 = arith.addi %while3A_222, %add3A_233 : i32
          %sub3A_235 = arith.constant 1 : i32
          %sub3A_236 = arith.subi %while3A_222, %sub3A_235 : i32
          %select_n3A_237 = arith.constant true
          %select_n3A_238 = arith.select %select_n3A_237, %sub3A_236, %while3A_222 : i32
          %eq3A_239 = arith.constant -1 : i32
          %eq3A_240 = arith.cmpi eq, %select_n3A_238, %eq3A_239 : i32
          %select_n3A_241 = arith.constant 3 : i32
          %select_n3A_242 = arith.select %eq3A_240, %select_n3A_241, %select_n3A_238 : i32
          %sub3A_243 = arith.constant 1 : i32
          %sub3A_244 = arith.subi %while3A_221, %sub3A_243 : i32
          %select_n3A_245 = arith.select %eq3A_240, %sub3A_244, %while3A_221 : i32
          %eq3A_246 = arith.constant -1 : i32
          %eq3A_247 = arith.cmpi eq, %select_n3A_245, %eq3A_246 : i32
          %sub3A_248 = arith.constant 1 : i32
          %sub3A_249 = arith.subi %select_n3A, %sub3A_248 : i32
          %select_n3A_250 = arith.select %eq3A_247, %sub3A_249, %select_n3A_245 : i32
          %add3A_251 = arith.addi %select_n3A_250, %select_n3A_14 : i32
          %add3A_252 = arith.constant 0 : i32
          %add3A_253 = arith.addi %select_n3A_242, %add3A_252 : i32
          %add3A_254 = arith.constant 1 : i32
          %add3A_255 = arith.addi %while3A_222, %add3A_254 : i32
          %select_n3A_256 = arith.constant true
          %select_n3A_257 = arith.select %select_n3A_256, %add3A_255, %while3A_222 : i32
          %eq3A_258 = arith.constant 4 : i32
          %eq3A_259 = arith.cmpi eq, %select_n3A_257, %eq3A_258 : i32
          %select_n3A_260 = arith.constant 0 : i32
          %select_n3A_261 = arith.select %eq3A_259, %select_n3A_260, %select_n3A_257 : i32
          %add3A_262 = arith.constant 1 : i32
          %add3A_263 = arith.addi %while3A_221, %add3A_262 : i32
          %select_n3A_264 = arith.select %eq3A_259, %add3A_263, %while3A_221 : i32
          %eq3A_265 = arith.cmpi eq, %select_n3A_264, %select_n3A : i32
          %select_n3A_266 = arith.constant 0 : i32
          %select_n3A_267 = arith.select %eq3A_265, %select_n3A_266, %select_n3A_264 : i32
          %add3A_268 = arith.addi %select_n3A_267, %select_n3A_14 : i32
          %add3A_269 = arith.constant 0 : i32
          %add3A_270 = arith.addi %select_n3A_261, %add3A_269 : i32
          %add3A_271 = arith.constant 1 : i32
          %add3A_272 = arith.addi %select_n3A_261, %add3A_271 : i32
          %select_n3A_273 = arith.constant true
          %select_n3A_274 = arith.select %select_n3A_273, %add3A_272, %select_n3A_261 : i32
          %eq3A_275 = arith.constant 4 : i32
          %eq3A_276 = arith.cmpi eq, %select_n3A_274, %eq3A_275 : i32
          %select_n3A_277 = arith.constant 0 : i32
          %select_n3A_278 = arith.select %eq3A_276, %select_n3A_277, %select_n3A_274 : i32
          %add3A_279 = arith.constant 1 : i32
          %add3A_280 = arith.addi %select_n3A_267, %add3A_279 : i32
          %select_n3A_281 = arith.select %eq3A_276, %add3A_280, %select_n3A_267 : i32
          %eq3A_282 = arith.cmpi eq, %select_n3A_281, %select_n3A : i32
          %select_n3A_283 = arith.constant 0 : i32
          %select_n3A_284 = arith.select %eq3A_282, %select_n3A_283, %select_n3A_281 : i32
          %add3A_285 = arith.addi %select_n3A_284, %select_n3A_14 : i32
          %add3A_286 = arith.constant 0 : i32
          %add3A_287 = arith.addi %select_n3A_278, %add3A_286 : i32
          %mul3A_288 = arith.constant 4 : i32
          %mul3A_289 = arith.muli %add3A_232, %mul3A_288 : i32
          %add3A_290 = arith.addi %mul3A_289, %add3A_234 : i32
          %mul3A_291 = arith.constant 4 : i32
          %mul3A_292 = arith.muli %add3A_268, %mul3A_291 : i32
          %add3A_293 = arith.addi %mul3A_292, %add3A_270 : i32
          %ne3A = arith.cmpi ne, %add3A_290, %add3A_293 : i32
          %or3A = arith.constant false
          %or3A_294 = arith.ori %or3A, %ne3A : i1
          %or3A_295 = arith.constant false
          %or3A_296 = arith.ori %or3A_294, %or3A_295 : i1
          %sub3A_297 = arith.constant 2 : i32
          %sub3A_298 = arith.subi %mul3A_226, %sub3A_297 : i32
          %add3A_299 = arith.constant 1 : i32
          %add3A_300 = arith.addi %sub3A_298, %add3A_299 : i32
          %ge3A = arith.cmpi sge, %while3A_216, %add3A_300 : i32
          %not3A = arith.constant true
          %not3A_301 = arith.xori %ge3A, %not3A : i1
          %and3A = arith.andi %or3A_296, %not3A_301 : i1
          %convert_element_type3A_302 = arith.extui %and3A : i1 to i32
          %cond3A_303 = arith.constant 0 : i32
          %cond3A_304 = arith.cmpi ne, %convert_element_type3A_302, %cond3A_303 : i32
          scf.if %cond3A_304 {
            "tpu.trace_start"() <{level = 10 : i32, message = "ep_copy_in"}> : () -> ()
            %rem3A_454 = arith.constant 2 : i32
            %rem3A_455 = arith.remui %while3A_217, %rem3A_454 : i32
            %mul3A_456 = arith.constant 4 : i32
            %mul3A_457 = arith.muli %add3A_268, %mul3A_456 : i32
            %add3A_458 = arith.addi %mul3A_457, %add3A_270 : i32
            %mul3A_459 = arith.constant 8 : i32
            %mul3A_460 = arith.muli %mul3A_459, %add3A_458 : i32
            %dma_start3A_461 = arith.constant 0 : i32
            %dma_start3A_462 = arith.constant 0 : i32
            %dma_start3A_463 = tpu.memref_slice %run_scoped3A[%rem3A_455, %dma_start3A_461, %dma_start3A_462] : memref<2x8x128xi32, #tpu.memory_space<vmem>> -> memref<1x8x128xi32, #tpu.memory_space<vmem>>
            %dma_start3A_464 = tpu.memref_squeeze %dma_start3A_463 : memref<1x8x128xi32, #tpu.memory_space<vmem>> -> memref<8x128xi32, #tpu.memory_space<vmem>>
            %dma_start3A_465 = arith.constant 0 : i32
            %dma_start3A_466 = tpu.memref_slice %arg3[%mul3A_460, %dma_start3A_465] : memref<6400x128xi32, #tpu.memory_space<hbm>> -> memref<8x128xi32, #tpu.memory_space<hbm>>
            %dma_start3A_467 = tpu.memref_slice %run_scoped3A_19[%rem3A_455] : memref<2x!tpu.dma_semaphore, #tpu.memory_space<semaphore_mem>> -> memref<1x!tpu.dma_semaphore, #tpu.memory_space<semaphore_mem>>
            %dma_start3A_468 = tpu.memref_squeeze %dma_start3A_467 : memref<1x!tpu.dma_semaphore, #tpu.memory_space<semaphore_mem>> -> memref<!tpu.dma_semaphore, #tpu.memory_space<semaphore_mem>>
            %dma_start3A_469 = arith.constant 0 : i32
            %dma_start3A_470 = arith.constant 0 : i32
            %dma_start3A_471 = tpu.memref_slice %run_scoped3A[%rem3A_455, %dma_start3A_469, %dma_start3A_470] : memref<2x8x128xi32, #tpu.memory_space<vmem>> -> memref<1x8x128xi32, #tpu.memory_space<vmem>>
            %dma_start3A_472 = tpu.memref_squeeze %dma_start3A_471 : memref<1x8x128xi32, #tpu.memory_space<vmem>> -> memref<8x128xi32, #tpu.memory_space<vmem>>
            %dma_start3A_473 = arith.constant 0 : i32
            %dma_start3A_474 = tpu.memref_slice %arg3[%mul3A_460, %dma_start3A_473] : memref<6400x128xi32, #tpu.memory_space<hbm>> -> memref<8x128xi32, #tpu.memory_space<hbm>>
            tpu.enqueue_dma source(%dma_start3A_474 : memref<8x128xi32, #tpu.memory_space<hbm>>) target(%dma_start3A_472 : memref<8x128xi32, #tpu.memory_space<vmem>>) target_semaphore(%dma_start3A_468 : memref<!tpu.dma_semaphore, #tpu.memory_space<semaphore_mem>>)
            "tpu.trace_stop"() : () -> ()
          } else {
          }
          %and3A_305 = arith.constant true
          %and3A_306 = arith.andi %and3A, %and3A_305 : i1
          %add3A_307 = arith.constant 1 : i32
          %add3A_308 = arith.addi %while3A_217, %add3A_307 : i32
          %select_n3A_309 = arith.select %and3A_306, %add3A_308, %while3A_217 : i32
          %ne3A_310 = arith.cmpi ne, %add3A_232, %add3A_268 : i32
          %ne3A_311 = arith.cmpi ne, %add3A_234, %add3A_270 : i32
          %or3A_312 = arith.constant false
          %or3A_313 = arith.ori %or3A_312, %ne3A_310 : i1
          %or3A_314 = arith.ori %or3A_313, %ne3A_311 : i1
          %sub3A_315 = arith.constant 2 : i32
          %sub3A_316 = arith.subi %mul3A_226, %sub3A_315 : i32
          %add3A_317 = arith.constant 1 : i32
          %add3A_318 = arith.addi %sub3A_316, %add3A_317 : i32
          %ge3A_319 = arith.cmpi sge, %while3A_216, %add3A_318 : i32
          %not3A_320 = arith.constant true
          %not3A_321 = arith.xori %ge3A_319, %not3A_320 : i1
          %and3A_322 = arith.andi %or3A_314, %not3A_321 : i1
          %mul3A_323 = arith.constant 4 : i32
          %mul3A_324 = arith.muli %add3A_232, %mul3A_323 : i32
          %add3A_325 = arith.addi %mul3A_324, %add3A_234 : i32
          %mul3A_326 = arith.constant 4 : i32
          %mul3A_327 = arith.muli %add3A_251, %mul3A_326 : i32
          %add3A_328 = arith.addi %mul3A_327, %add3A_253 : i32
          %ne3A_329 = arith.cmpi ne, %add3A_325, %add3A_328 : i32
          %or3A_330 = arith.constant false
          %or3A_331 = arith.ori %or3A_330, %ne3A_329 : i1
          %or3A_332 = arith.constant false
          %or3A_333 = arith.ori %or3A_331, %or3A_332 : i1
          %or3A_334 = arith.ori %or3A_333, %eq3A_228 : i1
          %convert_element_type3A_335 = arith.extui %or3A_334 : i1 to i32
          %cond3A_336 = arith.constant 0 : i32
          %cond3A_337 = arith.cmpi ne, %convert_element_type3A_335, %cond3A_336 : i32
          scf.if %cond3A_337 {
            "tpu.trace_start"() <{level = 10 : i32, message = "ep_wait_in"}> : () -> ()
            %mul3A_454 = arith.constant 4 : i32
            %mul3A_455 = arith.muli %add3A_232, %mul3A_454 : i32
            %add3A_456 = arith.addi %mul3A_455, %add3A_234 : i32
            %mul3A_457 = arith.constant 8 : i32
            %mul3A_458 = arith.muli %mul3A_457, %add3A_456 : i32
            %rem3A_459 = arith.constant 2 : i32
            %rem3A_460 = arith.remui %while3A_218, %rem3A_459 : i32
            %dma_wait3A = arith.constant 0 : i32
            %dma_wait3A_461 = arith.constant 0 : i32
            %dma_wait3A_462 = tpu.memref_slice %run_scoped3A[%rem3A_460, %dma_wait3A, %dma_wait3A_461] : memref<2x8x128xi32, #tpu.memory_space<vmem>> -> memref<1x8x128xi32, #tpu.memory_space<vmem>>
            %dma_wait3A_463 = tpu.memref_squeeze %dma_wait3A_462 : memref<1x8x128xi32, #tpu.memory_space<vmem>> -> memref<8x128xi32, #tpu.memory_space<vmem>>
            %dma_wait3A_464 = arith.constant 0 : i32
            %dma_wait3A_465 = tpu.memref_slice %arg3[%mul3A_458, %dma_wait3A_464] : memref<6400x128xi32, #tpu.memory_space<hbm>> -> memref<8x128xi32, #tpu.memory_space<hbm>>
            %dma_wait3A_466 = tpu.memref_slice %run_scoped3A_19[%rem3A_460] : memref<2x!tpu.dma_semaphore, #tpu.memory_space<semaphore_mem>> -> memref<1x!tpu.dma_semaphore, #tpu.memory_space<semaphore_mem>>
            %dma_wait3A_467 = tpu.memref_squeeze %dma_wait3A_466 : memref<1x!tpu.dma_semaphore, #tpu.memory_space<semaphore_mem>> -> memref<!tpu.dma_semaphore, #tpu.memory_space<semaphore_mem>>
            %dma_wait3A_468 = arith.constant 0 : i32
            %dma_wait3A_469 = arith.constant 0 : i32
            %dma_wait3A_470 = tpu.memref_slice %run_scoped3A[%rem3A_460, %dma_wait3A_468, %dma_wait3A_469] : memref<2x8x128xi32, #tpu.memory_space<vmem>> -> memref<1x8x128xi32, #tpu.memory_space<vmem>>
            %dma_wait3A_471 = tpu.memref_squeeze %dma_wait3A_470 : memref<1x8x128xi32, #tpu.memory_space<vmem>> -> memref<8x128xi32, #tpu.memory_space<vmem>>
            %dma_wait3A_472 = arith.constant 0 : i32
            %dma_wait3A_473 = tpu.memref_slice %arg3[%mul3A_458, %dma_wait3A_472] : memref<6400x128xi32, #tpu.memory_space<hbm>> -> memref<8x128xi32, #tpu.memory_space<hbm>>
            tpu.wait_dma2 semaphore(%dma_wait3A_467 : memref<!tpu.dma_semaphore, #tpu.memory_space<semaphore_mem>>) src(%dma_wait3A_473 : memref<8x128xi32, #tpu.memory_space<hbm>>) dst(%dma_wait3A_471 : memref<8x128xi32, #tpu.memory_space<vmem>>)
            "tpu.trace_stop"() : () -> ()
          } else {
          }
          %ne3A_338 = arith.cmpi ne, %add3A_232, %add3A_251 : i32
          %ne3A_339 = arith.cmpi ne, %add3A_234, %add3A_253 : i32
          %or3A_340 = arith.constant false
          %or3A_341 = arith.ori %or3A_340, %ne3A_338 : i1
          %or3A_342 = arith.ori %or3A_341, %ne3A_339 : i1
          %or3A_343 = arith.ori %or3A_342, %eq3A_228 : i1
          %convert_element_type3A_344 = arith.extui %or3A_343 : i1 to i32
          %cond3A_345 = arith.constant 0 : i32
          %cond3A_346 = arith.cmpi ne, %convert_element_type3A_344, %cond3A_345 : i32
          scf.if %cond3A_346 {
          } else {
          }
          %rem3A_347 = arith.constant 2 : i32
          %rem3A_348 = arith.remui %while3A_218, %rem3A_347 : i32
          %rem3A_349 = arith.constant 2 : i32
          %rem3A_350 = arith.remui %while3A_219, %rem3A_349 : i32
          %run_scoped3A_351 = arith.constant 0 : i32
          "tpu.trace_start"() <{level = 10 : i32, message = "ep_run_kernel"}> : () -> ()
          "tpu.region"() ({
            %run_scoped3A_454 = tpu.sem_alloc : memref<!tpu.dma_semaphore, #tpu.memory_space<semaphore_mem>>
            %dma_start3A_455 = arith.constant 0 : i32
            %dma_start3A_456 = arith.constant 0 : i32
            %dma_start3A_457 = tpu.memref_slice %run_scoped3A_20[%rem3A_350, %dma_start3A_455, %dma_start3A_456] : memref<2x1024x32xf32, #tpu.memory_space<vmem>> -> memref<1x1024x32xf32, #tpu.memory_space<vmem>>
            %dma_start3A_458 = tpu.memref_squeeze %dma_start3A_457 : memref<1x1024x32xf32, #tpu.memory_space<vmem>> -> memref<1024x32xf32, #tpu.memory_space<vmem>>
            %dma_start3A_459 = arith.constant 0 : i32
            %dma_start3A_460 = arith.constant 0 : i32
            %dma_start3A_461 = tpu.memref_slice %dma_start3A_458[%dma_start3A_459, %dma_start3A_460] : memref<1024x32xf32, #tpu.memory_space<vmem>> -> memref<128x32xf32, #tpu.memory_space<vmem>>
            %dma_start3A_462 = arith.constant 0 : i32
            %dma_start3A_463 = arith.constant 0 : i32
            %dma_start3A_464 = tpu.memref_slice %run_scoped3A[%rem3A_348, %dma_start3A_462, %dma_start3A_463] : memref<2x8x128xi32, #tpu.memory_space<vmem>> -> memref<1x8x128xi32, #tpu.memory_space<vmem>>
            %dma_start3A_465 = tpu.memref_squeeze %dma_start3A_464 : memref<1x8x128xi32, #tpu.memory_space<vmem>> -> memref<8x128xi32, #tpu.memory_space<vmem>>
            %dma_start3A_466 = arith.constant 0 : i32
            %dma_start3A_467 = tpu.memref_slice %dma_start3A_465[%run_scoped3A_351, %dma_start3A_466] : memref<8x128xi32, #tpu.memory_space<vmem>> -> memref<1x128xi32, #tpu.memory_space<vmem>>
            %dma_start3A_468 = tpu.memref_squeeze %dma_start3A_467 : memref<1x128xi32, #tpu.memory_space<vmem>> -> memref<128xi32, #tpu.memory_space<vmem>>
            %dma_start3A_469 = arith.constant 0 : i32
            %dma_start3A_470 = arith.constant 0 : i32
            %dma_start3A_471 = tpu.memref_slice %arg2[%dma_start3A_469, %dma_start3A_470] : memref<1007616x32xf32, #tpu.memory_space<hbm>> -> memref<1007616x32xf32, #tpu.memory_space<hbm>>
            tpu.enqueue_indirect_dma source(%dma_start3A_471 : memref<1007616x32xf32, #tpu.memory_space<hbm>>) target(%dma_start3A_461 : memref<128x32xf32, #tpu.memory_space<vmem>>) offsets(%dma_start3A_468 : memref<128xi32, #tpu.memory_space<vmem>>) semaphore(%run_scoped3A_454 : memref<!tpu.dma_semaphore, #tpu.memory_space<semaphore_mem>>)
            %dma_wait3A = arith.constant 0 : i32
            %dma_wait3A_472 = arith.constant 0 : i32
            %dma_wait3A_473 = tpu.memref_slice %run_scoped3A_20[%rem3A_350, %dma_wait3A, %dma_wait3A_472] : memref<2x1024x32xf32, #tpu.memory_space<vmem>> -> memref<1x1024x32xf32, #tpu.memory_space<vmem>>
            %dma_wait3A_474 = tpu.memref_squeeze %dma_wait3A_473 : memref<1x1024x32xf32, #tpu.memory_space<vmem>> -> memref<1024x32xf32, #tpu.memory_space<vmem>>
            %dma_wait3A_475 = arith.constant 0 : i32
            %dma_wait3A_476 = arith.constant 0 : i32
            %dma_wait3A_477 = tpu.memref_slice %dma_wait3A_474[%dma_wait3A_475, %dma_wait3A_476] : memref<1024x32xf32, #tpu.memory_space<vmem>> -> memref<128x32xf32, #tpu.memory_space<vmem>>
            %dma_wait3A_478 = arith.constant 0 : i32
            %dma_wait3A_479 = arith.constant 0 : i32
            %dma_wait3A_480 = tpu.memref_slice %run_scoped3A[%rem3A_348, %dma_wait3A_478, %dma_wait3A_479] : memref<2x8x128xi32, #tpu.memory_space<vmem>> -> memref<1x8x128xi32, #tpu.memory_space<vmem>>
            %dma_wait3A_481 = tpu.memref_squeeze %dma_wait3A_480 : memref<1x8x128xi32, #tpu.memory_space<vmem>> -> memref<8x128xi32, #tpu.memory_space<vmem>>
            %dma_wait3A_482 = arith.constant 0 : i32
            %dma_wait3A_483 = tpu.memref_slice %dma_wait3A_481[%run_scoped3A_351, %dma_wait3A_482] : memref<8x128xi32, #tpu.memory_space<vmem>> -> memref<1x128xi32, #tpu.memory_space<vmem>>
            %dma_wait3A_484 = tpu.memref_squeeze %dma_wait3A_483 : memref<1x128xi32, #tpu.memory_space<vmem>> -> memref<128xi32, #tpu.memory_space<vmem>>
            %dma_wait3A_485 = arith.constant 0 : i32
            %dma_wait3A_486 = arith.constant 0 : i32
            %dma_wait3A_487 = tpu.memref_slice %arg2[%dma_wait3A_485, %dma_wait3A_486] : memref<1007616x32xf32, #tpu.memory_space<hbm>> -> memref<1007616x32xf32, #tpu.memory_space<hbm>>
            tpu.wait_indirect_dma semaphore(%run_scoped3A_454 : memref<!tpu.dma_semaphore, #tpu.memory_space<semaphore_mem>>) src(%dma_wait3A_487 : memref<1007616x32xf32, #tpu.memory_space<hbm>>) dst(%dma_wait3A_477 : memref<128x32xf32, #tpu.memory_space<vmem>>)
            tpu.yield
          }) : () -> ()
          %run_scoped3A_352 = arith.constant 1 : i32
          "tpu.region"() ({
            %run_scoped3A_454 = tpu.sem_alloc : memref<!tpu.dma_semaphore, #tpu.memory_space<semaphore_mem>>
            %dma_start3A_455 = arith.constant 0 : i32
            %dma_start3A_456 = arith.constant 0 : i32
            %dma_start3A_457 = tpu.memref_slice %run_scoped3A_20[%rem3A_350, %dma_start3A_455, %dma_start3A_456] : memref<2x1024x32xf32, #tpu.memory_space<vmem>> -> memref<1x1024x32xf32, #tpu.memory_space<vmem>>
            %dma_start3A_458 = tpu.memref_squeeze %dma_start3A_457 : memref<1x1024x32xf32, #tpu.memory_space<vmem>> -> memref<1024x32xf32, #tpu.memory_space<vmem>>
            %dma_start3A_459 = arith.constant 128 : i32
            %dma_start3A_460 = arith.constant 0 : i32
            %dma_start3A_461 = tpu.memref_slice %dma_start3A_458[%dma_start3A_459, %dma_start3A_460] : memref<1024x32xf32, #tpu.memory_space<vmem>> -> memref<128x32xf32, #tpu.memory_space<vmem>>
            %dma_start3A_462 = arith.constant 0 : i32
            %dma_start3A_463 = arith.constant 0 : i32
            %dma_start3A_464 = tpu.memref_slice %run_scoped3A[%rem3A_348, %dma_start3A_462, %dma_start3A_463] : memref<2x8x128xi32, #tpu.memory_space<vmem>> -> memref<1x8x128xi32, #tpu.memory_space<vmem>>
            %dma_start3A_465 = tpu.memref_squeeze %dma_start3A_464 : memref<1x8x128xi32, #tpu.memory_space<vmem>> -> memref<8x128xi32, #tpu.memory_space<vmem>>
            %dma_start3A_466 = arith.constant 0 : i32
            %dma_start3A_467 = tpu.memref_slice %dma_start3A_465[%run_scoped3A_352, %dma_start3A_466] : memref<8x128xi32, #tpu.memory_space<vmem>> -> memref<1x128xi32, #tpu.memory_space<vmem>>
            %dma_start3A_468 = tpu.memref_squeeze %dma_start3A_467 : memref<1x128xi32, #tpu.memory_space<vmem>> -> memref<128xi32, #tpu.memory_space<vmem>>
            %dma_start3A_469 = arith.constant 0 : i32
            %dma_start3A_470 = arith.constant 0 : i32
            %dma_start3A_471 = tpu.memref_slice %arg2[%dma_start3A_469, %dma_start3A_470] : memref<1007616x32xf32, #tpu.memory_space<hbm>> -> memref<1007616x32xf32, #tpu.memory_space<hbm>>
            tpu.enqueue_indirect_dma source(%dma_start3A_471 : memref<1007616x32xf32, #tpu.memory_space<hbm>>) target(%dma_start3A_461 : memref<128x32xf32, #tpu.memory_space<vmem>>) offsets(%dma_start3A_468 : memref<128xi32, #tpu.memory_space<vmem>>) semaphore(%run_scoped3A_454 : memref<!tpu.dma_semaphore, #tpu.memory_space<semaphore_mem>>)
            %dma_wait3A = arith.constant 0 : i32
            %dma_wait3A_472 = arith.constant 0 : i32
            %dma_wait3A_473 = tpu.memref_slice %run_scoped3A_20[%rem3A_350, %dma_wait3A, %dma_wait3A_472] : memref<2x1024x32xf32, #tpu.memory_space<vmem>> -> memref<1x1024x32xf32, #tpu.memory_space<vmem>>
            %dma_wait3A_474 = tpu.memref_squeeze %dma_wait3A_473 : memref<1x1024x32xf32, #tpu.memory_space<vmem>> -> memref<1024x32xf32, #tpu.memory_space<vmem>>
            %dma_wait3A_475 = arith.constant 128 : i32
            %dma_wait3A_476 = arith.constant 0 : i32
            %dma_wait3A_477 = tpu.memref_slice %dma_wait3A_474[%dma_wait3A_475, %dma_wait3A_476] : memref<1024x32xf32, #tpu.memory_space<vmem>> -> memref<128x32xf32, #tpu.memory_space<vmem>>
            %dma_wait3A_478 = arith.constant 0 : i32
            %dma_wait3A_479 = arith.constant 0 : i32
            %dma_wait3A_480 = tpu.memref_slice %run_scoped3A[%rem3A_348, %dma_wait3A_478, %dma_wait3A_479] : memref<2x8x128xi32, #tpu.memory_space<vmem>> -> memref<1x8x128xi32, #tpu.memory_space<vmem>>
            %dma_wait3A_481 = tpu.memref_squeeze %dma_wait3A_480 : memref<1x8x128xi32, #tpu.memory_space<vmem>> -> memref<8x128xi32, #tpu.memory_space<vmem>>
            %dma_wait3A_482 = arith.constant 0 : i32
            %dma_wait3A_483 = tpu.memref_slice %dma_wait3A_481[%run_scoped3A_352, %dma_wait3A_482] : memref<8x128xi32, #tpu.memory_space<vmem>> -> memref<1x128xi32, #tpu.memory_space<vmem>>
            %dma_wait3A_484 = tpu.memref_squeeze %dma_wait3A_483 : memref<1x128xi32, #tpu.memory_space<vmem>> -> memref<128xi32, #tpu.memory_space<vmem>>
            %dma_wait3A_485 = arith.constant 0 : i32
            %dma_wait3A_486 = arith.constant 0 : i32
            %dma_wait3A_487 = tpu.memref_slice %arg2[%dma_wait3A_485, %dma_wait3A_486] : memref<1007616x32xf32, #tpu.memory_space<hbm>> -> memref<1007616x32xf32, #tpu.memory_space<hbm>>
            tpu.wait_indirect_dma semaphore(%run_scoped3A_454 : memref<!tpu.dma_semaphore, #tpu.memory_space<semaphore_mem>>) src(%dma_wait3A_487 : memref<1007616x32xf32, #tpu.memory_space<hbm>>) dst(%dma_wait3A_477 : memref<128x32xf32, #tpu.memory_space<vmem>>)
            tpu.yield
          }) : () -> ()
          %run_scoped3A_353 = arith.constant 2 : i32
          "tpu.region"() ({
            %run_scoped3A_454 = tpu.sem_alloc : memref<!tpu.dma_semaphore, #tpu.memory_space<semaphore_mem>>
            %dma_start3A_455 = arith.constant 0 : i32
            %dma_start3A_456 = arith.constant 0 : i32
            %dma_start3A_457 = tpu.memref_slice %run_scoped3A_20[%rem3A_350, %dma_start3A_455, %dma_start3A_456] : memref<2x1024x32xf32, #tpu.memory_space<vmem>> -> memref<1x1024x32xf32, #tpu.memory_space<vmem>>
            %dma_start3A_458 = tpu.memref_squeeze %dma_start3A_457 : memref<1x1024x32xf32, #tpu.memory_space<vmem>> -> memref<1024x32xf32, #tpu.memory_space<vmem>>
            %dma_start3A_459 = arith.constant 256 : i32
            %dma_start3A_460 = arith.constant 0 : i32
            %dma_start3A_461 = tpu.memref_slice %dma_start3A_458[%dma_start3A_459, %dma_start3A_460] : memref<1024x32xf32, #tpu.memory_space<vmem>> -> memref<128x32xf32, #tpu.memory_space<vmem>>
            %dma_start3A_462 = arith.constant 0 : i32
            %dma_start3A_463 = arith.constant 0 : i32
            %dma_start3A_464 = tpu.memref_slice %run_scoped3A[%rem3A_348, %dma_start3A_462, %dma_start3A_463] : memref<2x8x128xi32, #tpu.memory_space<vmem>> -> memref<1x8x128xi32, #tpu.memory_space<vmem>>
            %dma_start3A_465 = tpu.memref_squeeze %dma_start3A_464 : memref<1x8x128xi32, #tpu.memory_space<vmem>> -> memref<8x128xi32, #tpu.memory_space<vmem>>
            %dma_start3A_466 = arith.constant 0 : i32
            %dma_start3A_467 = tpu.memref_slice %dma_start3A_465[%run_scoped3A_353, %dma_start3A_466] : memref<8x128xi32, #tpu.memory_space<vmem>> -> memref<1x128xi32, #tpu.memory_space<vmem>>
            %dma_start3A_468 = tpu.memref_squeeze %dma_start3A_467 : memref<1x128xi32, #tpu.memory_space<vmem>> -> memref<128xi32, #tpu.memory_space<vmem>>
            %dma_start3A_469 = arith.constant 0 : i32
            %dma_start3A_470 = arith.constant 0 : i32
            %dma_start3A_471 = tpu.memref_slice %arg2[%dma_start3A_469, %dma_start3A_470] : memref<1007616x32xf32, #tpu.memory_space<hbm>> -> memref<1007616x32xf32, #tpu.memory_space<hbm>>
            tpu.enqueue_indirect_dma source(%dma_start3A_471 : memref<1007616x32xf32, #tpu.memory_space<hbm>>) target(%dma_start3A_461 : memref<128x32xf32, #tpu.memory_space<vmem>>) offsets(%dma_start3A_468 : memref<128xi32, #tpu.memory_space<vmem>>) semaphore(%run_scoped3A_454 : memref<!tpu.dma_semaphore, #tpu.memory_space<semaphore_mem>>)
            %dma_wait3A = arith.constant 0 : i32
            %dma_wait3A_472 = arith.constant 0 : i32
            %dma_wait3A_473 = tpu.memref_slice %run_scoped3A_20[%rem3A_350, %dma_wait3A, %dma_wait3A_472] : memref<2x1024x32xf32, #tpu.memory_space<vmem>> -> memref<1x1024x32xf32, #tpu.memory_space<vmem>>
            %dma_wait3A_474 = tpu.memref_squeeze %dma_wait3A_473 : memref<1x1024x32xf32, #tpu.memory_space<vmem>> -> memref<1024x32xf32, #tpu.memory_space<vmem>>
            %dma_wait3A_475 = arith.constant 256 : i32
            %dma_wait3A_476 = arith.constant 0 : i32
            %dma_wait3A_477 = tpu.memref_slice %dma_wait3A_474[%dma_wait3A_475, %dma_wait3A_476] : memref<1024x32xf32, #tpu.memory_space<vmem>> -> memref<128x32xf32, #tpu.memory_space<vmem>>
            %dma_wait3A_478 = arith.constant 0 : i32
            %dma_wait3A_479 = arith.constant 0 : i32
            %dma_wait3A_480 = tpu.memref_slice %run_scoped3A[%rem3A_348, %dma_wait3A_478, %dma_wait3A_479] : memref<2x8x128xi32, #tpu.memory_space<vmem>> -> memref<1x8x128xi32, #tpu.memory_space<vmem>>
            %dma_wait3A_481 = tpu.memref_squeeze %dma_wait3A_480 : memref<1x8x128xi32, #tpu.memory_space<vmem>> -> memref<8x128xi32, #tpu.memory_space<vmem>>
            %dma_wait3A_482 = arith.constant 0 : i32
            %dma_wait3A_483 = tpu.memref_slice %dma_wait3A_481[%run_scoped3A_353, %dma_wait3A_482] : memref<8x128xi32, #tpu.memory_space<vmem>> -> memref<1x128xi32, #tpu.memory_space<vmem>>
            %dma_wait3A_484 = tpu.memref_squeeze %dma_wait3A_483 : memref<1x128xi32, #tpu.memory_space<vmem>> -> memref<128xi32, #tpu.memory_space<vmem>>
            %dma_wait3A_485 = arith.constant 0 : i32
            %dma_wait3A_486 = arith.constant 0 : i32
            %dma_wait3A_487 = tpu.memref_slice %arg2[%dma_wait3A_485, %dma_wait3A_486] : memref<1007616x32xf32, #tpu.memory_space<hbm>> -> memref<1007616x32xf32, #tpu.memory_space<hbm>>
            tpu.wait_indirect_dma semaphore(%run_scoped3A_454 : memref<!tpu.dma_semaphore, #tpu.memory_space<semaphore_mem>>) src(%dma_wait3A_487 : memref<1007616x32xf32, #tpu.memory_space<hbm>>) dst(%dma_wait3A_477 : memref<128x32xf32, #tpu.memory_space<vmem>>)
            tpu.yield
          }) : () -> ()
          %run_scoped3A_354 = arith.constant 3 : i32
          "tpu.region"() ({
            %run_scoped3A_454 = tpu.sem_alloc : memref<!tpu.dma_semaphore, #tpu.memory_space<semaphore_mem>>
            %dma_start3A_455 = arith.constant 0 : i32
            %dma_start3A_456 = arith.constant 0 : i32
            %dma_start3A_457 = tpu.memref_slice %run_scoped3A_20[%rem3A_350, %dma_start3A_455, %dma_start3A_456] : memref<2x1024x32xf32, #tpu.memory_space<vmem>> -> memref<1x1024x32xf32, #tpu.memory_space<vmem>>
            %dma_start3A_458 = tpu.memref_squeeze %dma_start3A_457 : memref<1x1024x32xf32, #tpu.memory_space<vmem>> -> memref<1024x32xf32, #tpu.memory_space<vmem>>
            %dma_start3A_459 = arith.constant 384 : i32
            %dma_start3A_460 = arith.constant 0 : i32
            %dma_start3A_461 = tpu.memref_slice %dma_start3A_458[%dma_start3A_459, %dma_start3A_460] : memref<1024x32xf32, #tpu.memory_space<vmem>> -> memref<128x32xf32, #tpu.memory_space<vmem>>
            %dma_start3A_462 = arith.constant 0 : i32
            %dma_start3A_463 = arith.constant 0 : i32
            %dma_start3A_464 = tpu.memref_slice %run_scoped3A[%rem3A_348, %dma_start3A_462, %dma_start3A_463] : memref<2x8x128xi32, #tpu.memory_space<vmem>> -> memref<1x8x128xi32, #tpu.memory_space<vmem>>
            %dma_start3A_465 = tpu.memref_squeeze %dma_start3A_464 : memref<1x8x128xi32, #tpu.memory_space<vmem>> -> memref<8x128xi32, #tpu.memory_space<vmem>>
            %dma_start3A_466 = arith.constant 0 : i32
            %dma_start3A_467 = tpu.memref_slice %dma_start3A_465[%run_scoped3A_354, %dma_start3A_466] : memref<8x128xi32, #tpu.memory_space<vmem>> -> memref<1x128xi32, #tpu.memory_space<vmem>>
            %dma_start3A_468 = tpu.memref_squeeze %dma_start3A_467 : memref<1x128xi32, #tpu.memory_space<vmem>> -> memref<128xi32, #tpu.memory_space<vmem>>
            %dma_start3A_469 = arith.constant 0 : i32
            %dma_start3A_470 = arith.constant 0 : i32
            %dma_start3A_471 = tpu.memref_slice %arg2[%dma_start3A_469, %dma_start3A_470] : memref<1007616x32xf32, #tpu.memory_space<hbm>> -> memref<1007616x32xf32, #tpu.memory_space<hbm>>
            tpu.enqueue_indirect_dma source(%dma_start3A_471 : memref<1007616x32xf32, #tpu.memory_space<hbm>>) target(%dma_start3A_461 : memref<128x32xf32, #tpu.memory_space<vmem>>) offsets(%dma_start3A_468 : memref<128xi32, #tpu.memory_space<vmem>>) semaphore(%run_scoped3A_454 : memref<!tpu.dma_semaphore, #tpu.memory_space<semaphore_mem>>)
            %dma_wait3A = arith.constant 0 : i32
            %dma_wait3A_472 = arith.constant 0 : i32
            %dma_wait3A_473 = tpu.memref_slice %run_scoped3A_20[%rem3A_350, %dma_wait3A, %dma_wait3A_472] : memref<2x1024x32xf32, #tpu.memory_space<vmem>> -> memref<1x1024x32xf32, #tpu.memory_space<vmem>>
            %dma_wait3A_474 = tpu.memref_squeeze %dma_wait3A_473 : memref<1x1024x32xf32, #tpu.memory_space<vmem>> -> memref<1024x32xf32, #tpu.memory_space<vmem>>
            %dma_wait3A_475 = arith.constant 384 : i32
            %dma_wait3A_476 = arith.constant 0 : i32
            %dma_wait3A_477 = tpu.memref_slice %dma_wait3A_474[%dma_wait3A_475, %dma_wait3A_476] : memref<1024x32xf32, #tpu.memory_space<vmem>> -> memref<128x32xf32, #tpu.memory_space<vmem>>
            %dma_wait3A_478 = arith.constant 0 : i32
            %dma_wait3A_479 = arith.constant 0 : i32
            %dma_wait3A_480 = tpu.memref_slice %run_scoped3A[%rem3A_348, %dma_wait3A_478, %dma_wait3A_479] : memref<2x8x128xi32, #tpu.memory_space<vmem>> -> memref<1x8x128xi32, #tpu.memory_space<vmem>>
            %dma_wait3A_481 = tpu.memref_squeeze %dma_wait3A_480 : memref<1x8x128xi32, #tpu.memory_space<vmem>> -> memref<8x128xi32, #tpu.memory_space<vmem>>
            %dma_wait3A_482 = arith.constant 0 : i32
            %dma_wait3A_483 = tpu.memref_slice %dma_wait3A_481[%run_scoped3A_354, %dma_wait3A_482] : memref<8x128xi32, #tpu.memory_space<vmem>> -> memref<1x128xi32, #tpu.memory_space<vmem>>
            %dma_wait3A_484 = tpu.memref_squeeze %dma_wait3A_483 : memref<1x128xi32, #tpu.memory_space<vmem>> -> memref<128xi32, #tpu.memory_space<vmem>>
            %dma_wait3A_485 = arith.constant 0 : i32
            %dma_wait3A_486 = arith.constant 0 : i32
            %dma_wait3A_487 = tpu.memref_slice %arg2[%dma_wait3A_485, %dma_wait3A_486] : memref<1007616x32xf32, #tpu.memory_space<hbm>> -> memref<1007616x32xf32, #tpu.memory_space<hbm>>
            tpu.wait_indirect_dma semaphore(%run_scoped3A_454 : memref<!tpu.dma_semaphore, #tpu.memory_space<semaphore_mem>>) src(%dma_wait3A_487 : memref<1007616x32xf32, #tpu.memory_space<hbm>>) dst(%dma_wait3A_477 : memref<128x32xf32, #tpu.memory_space<vmem>>)
            tpu.yield
          }) : () -> ()
          %run_scoped3A_355 = arith.constant 4 : i32
          "tpu.region"() ({
            %run_scoped3A_454 = tpu.sem_alloc : memref<!tpu.dma_semaphore, #tpu.memory_space<semaphore_mem>>
            %dma_start3A_455 = arith.constant 0 : i32
            %dma_start3A_456 = arith.constant 0 : i32
            %dma_start3A_457 = tpu.memref_slice %run_scoped3A_20[%rem3A_350, %dma_start3A_455, %dma_start3A_456] : memref<2x1024x32xf32, #tpu.memory_space<vmem>> -> memref<1x1024x32xf32, #tpu.memory_space<vmem>>
            %dma_start3A_458 = tpu.memref_squeeze %dma_start3A_457 : memref<1x1024x32xf32, #tpu.memory_space<vmem>> -> memref<1024x32xf32, #tpu.memory_space<vmem>>
            %dma_start3A_459 = arith.constant 512 : i32
            %dma_start3A_460 = arith.constant 0 : i32
            %dma_start3A_461 = tpu.memref_slice %dma_start3A_458[%dma_start3A_459, %dma_start3A_460] : memref<1024x32xf32, #tpu.memory_space<vmem>> -> memref<128x32xf32, #tpu.memory_space<vmem>>
            %dma_start3A_462 = arith.constant 0 : i32
            %dma_start3A_463 = arith.constant 0 : i32
            %dma_start3A_464 = tpu.memref_slice %run_scoped3A[%rem3A_348, %dma_start3A_462, %dma_start3A_463] : memref<2x8x128xi32, #tpu.memory_space<vmem>> -> memref<1x8x128xi32, #tpu.memory_space<vmem>>
            %dma_start3A_465 = tpu.memref_squeeze %dma_start3A_464 : memref<1x8x128xi32, #tpu.memory_space<vmem>> -> memref<8x128xi32, #tpu.memory_space<vmem>>
            %dma_start3A_466 = arith.constant 0 : i32
            %dma_start3A_467 = tpu.memref_slice %dma_start3A_465[%run_scoped3A_355, %dma_start3A_466] : memref<8x128xi32, #tpu.memory_space<vmem>> -> memref<1x128xi32, #tpu.memory_space<vmem>>
            %dma_start3A_468 = tpu.memref_squeeze %dma_start3A_467 : memref<1x128xi32, #tpu.memory_space<vmem>> -> memref<128xi32, #tpu.memory_space<vmem>>
            %dma_start3A_469 = arith.constant 0 : i32
            %dma_start3A_470 = arith.constant 0 : i32
            %dma_start3A_471 = tpu.memref_slice %arg2[%dma_start3A_469, %dma_start3A_470] : memref<1007616x32xf32, #tpu.memory_space<hbm>> -> memref<1007616x32xf32, #tpu.memory_space<hbm>>
            tpu.enqueue_indirect_dma source(%dma_start3A_471 : memref<1007616x32xf32, #tpu.memory_space<hbm>>) target(%dma_start3A_461 : memref<128x32xf32, #tpu.memory_space<vmem>>) offsets(%dma_start3A_468 : memref<128xi32, #tpu.memory_space<vmem>>) semaphore(%run_scoped3A_454 : memref<!tpu.dma_semaphore, #tpu.memory_space<semaphore_mem>>)
            %dma_wait3A = arith.constant 0 : i32
            %dma_wait3A_472 = arith.constant 0 : i32
            %dma_wait3A_473 = tpu.memref_slice %run_scoped3A_20[%rem3A_350, %dma_wait3A, %dma_wait3A_472] : memref<2x1024x32xf32, #tpu.memory_space<vmem>> -> memref<1x1024x32xf32, #tpu.memory_space<vmem>>
            %dma_wait3A_474 = tpu.memref_squeeze %dma_wait3A_473 : memref<1x1024x32xf32, #tpu.memory_space<vmem>> -> memref<1024x32xf32, #tpu.memory_space<vmem>>
            %dma_wait3A_475 = arith.constant 512 : i32
            %dma_wait3A_476 = arith.constant 0 : i32
            %dma_wait3A_477 = tpu.memref_slice %dma_wait3A_474[%dma_wait3A_475, %dma_wait3A_476] : memref<1024x32xf32, #tpu.memory_space<vmem>> -> memref<128x32xf32, #tpu.memory_space<vmem>>
            %dma_wait3A_478 = arith.constant 0 : i32
            %dma_wait3A_479 = arith.constant 0 : i32
            %dma_wait3A_480 = tpu.memref_slice %run_scoped3A[%rem3A_348, %dma_wait3A_478, %dma_wait3A_479] : memref<2x8x128xi32, #tpu.memory_space<vmem>> -> memref<1x8x128xi32, #tpu.memory_space<vmem>>
            %dma_wait3A_481 = tpu.memref_squeeze %dma_wait3A_480 : memref<1x8x128xi32, #tpu.memory_space<vmem>> -> memref<8x128xi32, #tpu.memory_space<vmem>>
            %dma_wait3A_482 = arith.constant 0 : i32
            %dma_wait3A_483 = tpu.memref_slice %dma_wait3A_481[%run_scoped3A_355, %dma_wait3A_482] : memref<8x128xi32, #tpu.memory_space<vmem>> -> memref<1x128xi32, #tpu.memory_space<vmem>>
            %dma_wait3A_484 = tpu.memref_squeeze %dma_wait3A_483 : memref<1x128xi32, #tpu.memory_space<vmem>> -> memref<128xi32, #tpu.memory_space<vmem>>
            %dma_wait3A_485 = arith.constant 0 : i32
            %dma_wait3A_486 = arith.constant 0 : i32
            %dma_wait3A_487 = tpu.memref_slice %arg2[%dma_wait3A_485, %dma_wait3A_486] : memref<1007616x32xf32, #tpu.memory_space<hbm>> -> memref<1007616x32xf32, #tpu.memory_space<hbm>>
            tpu.wait_indirect_dma semaphore(%run_scoped3A_454 : memref<!tpu.dma_semaphore, #tpu.memory_space<semaphore_mem>>) src(%dma_wait3A_487 : memref<1007616x32xf32, #tpu.memory_space<hbm>>) dst(%dma_wait3A_477 : memref<128x32xf32, #tpu.memory_space<vmem>>)
            tpu.yield
          }) : () -> ()
          %run_scoped3A_356 = arith.constant 5 : i32
          "tpu.region"() ({
            %run_scoped3A_454 = tpu.sem_alloc : memref<!tpu.dma_semaphore, #tpu.memory_space<semaphore_mem>>
            %dma_start3A_455 = arith.constant 0 : i32
            %dma_start3A_456 = arith.constant 0 : i32
            %dma_start3A_457 = tpu.memref_slice %run_scoped3A_20[%rem3A_350, %dma_start3A_455, %dma_start3A_456] : memref<2x1024x32xf32, #tpu.memory_space<vmem>> -> memref<1x1024x32xf32, #tpu.memory_space<vmem>>
            %dma_start3A_458 = tpu.memref_squeeze %dma_start3A_457 : memref<1x1024x32xf32, #tpu.memory_space<vmem>> -> memref<1024x32xf32, #tpu.memory_space<vmem>>
            %dma_start3A_459 = arith.constant 640 : i32
            %dma_start3A_460 = arith.constant 0 : i32
            %dma_start3A_461 = tpu.memref_slice %dma_start3A_458[%dma_start3A_459, %dma_start3A_460] : memref<1024x32xf32, #tpu.memory_space<vmem>> -> memref<128x32xf32, #tpu.memory_space<vmem>>
            %dma_start3A_462 = arith.constant 0 : i32
            %dma_start3A_463 = arith.constant 0 : i32
            %dma_start3A_464 = tpu.memref_slice %run_scoped3A[%rem3A_348, %dma_start3A_462, %dma_start3A_463] : memref<2x8x128xi32, #tpu.memory_space<vmem>> -> memref<1x8x128xi32, #tpu.memory_space<vmem>>
            %dma_start3A_465 = tpu.memref_squeeze %dma_start3A_464 : memref<1x8x128xi32, #tpu.memory_space<vmem>> -> memref<8x128xi32, #tpu.memory_space<vmem>>
            %dma_start3A_466 = arith.constant 0 : i32
            %dma_start3A_467 = tpu.memref_slice %dma_start3A_465[%run_scoped3A_356, %dma_start3A_466] : memref<8x128xi32, #tpu.memory_space<vmem>> -> memref<1x128xi32, #tpu.memory_space<vmem>>
            %dma_start3A_468 = tpu.memref_squeeze %dma_start3A_467 : memref<1x128xi32, #tpu.memory_space<vmem>> -> memref<128xi32, #tpu.memory_space<vmem>>
            %dma_start3A_469 = arith.constant 0 : i32
            %dma_start3A_470 = arith.constant 0 : i32
            %dma_start3A_471 = tpu.memref_slice %arg2[%dma_start3A_469, %dma_start3A_470] : memref<1007616x32xf32, #tpu.memory_space<hbm>> -> memref<1007616x32xf32, #tpu.memory_space<hbm>>
            tpu.enqueue_indirect_dma source(%dma_start3A_471 : memref<1007616x32xf32, #tpu.memory_space<hbm>>) target(%dma_start3A_461 : memref<128x32xf32, #tpu.memory_space<vmem>>) offsets(%dma_start3A_468 : memref<128xi32, #tpu.memory_space<vmem>>) semaphore(%run_scoped3A_454 : memref<!tpu.dma_semaphore, #tpu.memory_space<semaphore_mem>>)
            %dma_wait3A = arith.constant 0 : i32
            %dma_wait3A_472 = arith.constant 0 : i32
            %dma_wait3A_473 = tpu.memref_slice %run_scoped3A_20[%rem3A_350, %dma_wait3A, %dma_wait3A_472] : memref<2x1024x32xf32, #tpu.memory_space<vmem>> -> memref<1x1024x32xf32, #tpu.memory_space<vmem>>
            %dma_wait3A_474 = tpu.memref_squeeze %dma_wait3A_473 : memref<1x1024x32xf32, #tpu.memory_space<vmem>> -> memref<1024x32xf32, #tpu.memory_space<vmem>>
            %dma_wait3A_475 = arith.constant 640 : i32
            %dma_wait3A_476 = arith.constant 0 : i32
            %dma_wait3A_477 = tpu.memref_slice %dma_wait3A_474[%dma_wait3A_475, %dma_wait3A_476] : memref<1024x32xf32, #tpu.memory_space<vmem>> -> memref<128x32xf32, #tpu.memory_space<vmem>>
            %dma_wait3A_478 = arith.constant 0 : i32
            %dma_wait3A_479 = arith.constant 0 : i32
            %dma_wait3A_480 = tpu.memref_slice %run_scoped3A[%rem3A_348, %dma_wait3A_478, %dma_wait3A_479] : memref<2x8x128xi32, #tpu.memory_space<vmem>> -> memref<1x8x128xi32, #tpu.memory_space<vmem>>
            %dma_wait3A_481 = tpu.memref_squeeze %dma_wait3A_480 : memref<1x8x128xi32, #tpu.memory_space<vmem>> -> memref<8x128xi32, #tpu.memory_space<vmem>>
            %dma_wait3A_482 = arith.constant 0 : i32
            %dma_wait3A_483 = tpu.memref_slice %dma_wait3A_481[%run_scoped3A_356, %dma_wait3A_482] : memref<8x128xi32, #tpu.memory_space<vmem>> -> memref<1x128xi32, #tpu.memory_space<vmem>>
            %dma_wait3A_484 = tpu.memref_squeeze %dma_wait3A_483 : memref<1x128xi32, #tpu.memory_space<vmem>> -> memref<128xi32, #tpu.memory_space<vmem>>
            %dma_wait3A_485 = arith.constant 0 : i32
            %dma_wait3A_486 = arith.constant 0 : i32
            %dma_wait3A_487 = tpu.memref_slice %arg2[%dma_wait3A_485, %dma_wait3A_486] : memref<1007616x32xf32, #tpu.memory_space<hbm>> -> memref<1007616x32xf32, #tpu.memory_space<hbm>>
            tpu.wait_indirect_dma semaphore(%run_scoped3A_454 : memref<!tpu.dma_semaphore, #tpu.memory_space<semaphore_mem>>) src(%dma_wait3A_487 : memref<1007616x32xf32, #tpu.memory_space<hbm>>) dst(%dma_wait3A_477 : memref<128x32xf32, #tpu.memory_space<vmem>>)
            tpu.yield
          }) : () -> ()
          %run_scoped3A_357 = arith.constant 6 : i32
          "tpu.region"() ({
            %run_scoped3A_454 = tpu.sem_alloc : memref<!tpu.dma_semaphore, #tpu.memory_space<semaphore_mem>>
            %dma_start3A_455 = arith.constant 0 : i32
            %dma_start3A_456 = arith.constant 0 : i32
            %dma_start3A_457 = tpu.memref_slice %run_scoped3A_20[%rem3A_350, %dma_start3A_455, %dma_start3A_456] : memref<2x1024x32xf32, #tpu.memory_space<vmem>> -> memref<1x1024x32xf32, #tpu.memory_space<vmem>>
            %dma_start3A_458 = tpu.memref_squeeze %dma_start3A_457 : memref<1x1024x32xf32, #tpu.memory_space<vmem>> -> memref<1024x32xf32, #tpu.memory_space<vmem>>
            %dma_start3A_459 = arith.constant 768 : i32
            %dma_start3A_460 = arith.constant 0 : i32
            %dma_start3A_461 = tpu.memref_slice %dma_start3A_458[%dma_start3A_459, %dma_start3A_460] : memref<1024x32xf32, #tpu.memory_space<vmem>> -> memref<128x32xf32, #tpu.memory_space<vmem>>
            %dma_start3A_462 = arith.constant 0 : i32
            %dma_start3A_463 = arith.constant 0 : i32
            %dma_start3A_464 = tpu.memref_slice %run_scoped3A[%rem3A_348, %dma_start3A_462, %dma_start3A_463] : memref<2x8x128xi32, #tpu.memory_space<vmem>> -> memref<1x8x128xi32, #tpu.memory_space<vmem>>
            %dma_start3A_465 = tpu.memref_squeeze %dma_start3A_464 : memref<1x8x128xi32, #tpu.memory_space<vmem>> -> memref<8x128xi32, #tpu.memory_space<vmem>>
            %dma_start3A_466 = arith.constant 0 : i32
            %dma_start3A_467 = tpu.memref_slice %dma_start3A_465[%run_scoped3A_357, %dma_start3A_466] : memref<8x128xi32, #tpu.memory_space<vmem>> -> memref<1x128xi32, #tpu.memory_space<vmem>>
            %dma_start3A_468 = tpu.memref_squeeze %dma_start3A_467 : memref<1x128xi32, #tpu.memory_space<vmem>> -> memref<128xi32, #tpu.memory_space<vmem>>
            %dma_start3A_469 = arith.constant 0 : i32
            %dma_start3A_470 = arith.constant 0 : i32
            %dma_start3A_471 = tpu.memref_slice %arg2[%dma_start3A_469, %dma_start3A_470] : memref<1007616x32xf32, #tpu.memory_space<hbm>> -> memref<1007616x32xf32, #tpu.memory_space<hbm>>
            tpu.enqueue_indirect_dma source(%dma_start3A_471 : memref<1007616x32xf32, #tpu.memory_space<hbm>>) target(%dma_start3A_461 : memref<128x32xf32, #tpu.memory_space<vmem>>) offsets(%dma_start3A_468 : memref<128xi32, #tpu.memory_space<vmem>>) semaphore(%run_scoped3A_454 : memref<!tpu.dma_semaphore, #tpu.memory_space<semaphore_mem>>)
            %dma_wait3A = arith.constant 0 : i32
            %dma_wait3A_472 = arith.constant 0 : i32
            %dma_wait3A_473 = tpu.memref_slice %run_scoped3A_20[%rem3A_350, %dma_wait3A, %dma_wait3A_472] : memref<2x1024x32xf32, #tpu.memory_space<vmem>> -> memref<1x1024x32xf32, #tpu.memory_space<vmem>>
            %dma_wait3A_474 = tpu.memref_squeeze %dma_wait3A_473 : memref<1x1024x32xf32, #tpu.memory_space<vmem>> -> memref<1024x32xf32, #tpu.memory_space<vmem>>
            %dma_wait3A_475 = arith.constant 768 : i32
            %dma_wait3A_476 = arith.constant 0 : i32
            %dma_wait3A_477 = tpu.memref_slice %dma_wait3A_474[%dma_wait3A_475, %dma_wait3A_476] : memref<1024x32xf32, #tpu.memory_space<vmem>> -> memref<128x32xf32, #tpu.memory_space<vmem>>
            %dma_wait3A_478 = arith.constant 0 : i32
            %dma_wait3A_479 = arith.constant 0 : i32
            %dma_wait3A_480 = tpu.memref_slice %run_scoped3A[%rem3A_348, %dma_wait3A_478, %dma_wait3A_479] : memref<2x8x128xi32, #tpu.memory_space<vmem>> -> memref<1x8x128xi32, #tpu.memory_space<vmem>>
            %dma_wait3A_481 = tpu.memref_squeeze %dma_wait3A_480 : memref<1x8x128xi32, #tpu.memory_space<vmem>> -> memref<8x128xi32, #tpu.memory_space<vmem>>
            %dma_wait3A_482 = arith.constant 0 : i32
            %dma_wait3A_483 = tpu.memref_slice %dma_wait3A_481[%run_scoped3A_357, %dma_wait3A_482] : memref<8x128xi32, #tpu.memory_space<vmem>> -> memref<1x128xi32, #tpu.memory_space<vmem>>
            %dma_wait3A_484 = tpu.memref_squeeze %dma_wait3A_483 : memref<1x128xi32, #tpu.memory_space<vmem>> -> memref<128xi32, #tpu.memory_space<vmem>>
            %dma_wait3A_485 = arith.constant 0 : i32
            %dma_wait3A_486 = arith.constant 0 : i32
            %dma_wait3A_487 = tpu.memref_slice %arg2[%dma_wait3A_485, %dma_wait3A_486] : memref<1007616x32xf32, #tpu.memory_space<hbm>> -> memref<1007616x32xf32, #tpu.memory_space<hbm>>
            tpu.wait_indirect_dma semaphore(%run_scoped3A_454 : memref<!tpu.dma_semaphore, #tpu.memory_space<semaphore_mem>>) src(%dma_wait3A_487 : memref<1007616x32xf32, #tpu.memory_space<hbm>>) dst(%dma_wait3A_477 : memref<128x32xf32, #tpu.memory_space<vmem>>)
            tpu.yield
          }) : () -> ()
          %run_scoped3A_358 = arith.constant 7 : i32
          "tpu.region"() ({
            %run_scoped3A_454 = tpu.sem_alloc : memref<!tpu.dma_semaphore, #tpu.memory_space<semaphore_mem>>
            %dma_start3A_455 = arith.constant 0 : i32
            %dma_start3A_456 = arith.constant 0 : i32
            %dma_start3A_457 = tpu.memref_slice %run_scoped3A_20[%rem3A_350, %dma_start3A_455, %dma_start3A_456] : memref<2x1024x32xf32, #tpu.memory_space<vmem>> -> memref<1x1024x32xf32, #tpu.memory_space<vmem>>
            %dma_start3A_458 = tpu.memref_squeeze %dma_start3A_457 : memref<1x1024x32xf32, #tpu.memory_space<vmem>> -> memref<1024x32xf32, #tpu.memory_space<vmem>>
            %dma_start3A_459 = arith.constant 896 : i32
            %dma_start3A_460 = arith.constant 0 : i32
            %dma_start3A_461 = tpu.memref_slice %dma_start3A_458[%dma_start3A_459, %dma_start3A_460] : memref<1024x32xf32, #tpu.memory_space<vmem>> -> memref<128x32xf32, #tpu.memory_space<vmem>>
            %dma_start3A_462 = arith.constant 0 : i32
            %dma_start3A_463 = arith.constant 0 : i32
            %dma_start3A_464 = tpu.memref_slice %run_scoped3A[%rem3A_348, %dma_start3A_462, %dma_start3A_463] : memref<2x8x128xi32, #tpu.memory_space<vmem>> -> memref<1x8x128xi32, #tpu.memory_space<vmem>>
            %dma_start3A_465 = tpu.memref_squeeze %dma_start3A_464 : memref<1x8x128xi32, #tpu.memory_space<vmem>> -> memref<8x128xi32, #tpu.memory_space<vmem>>
            %dma_start3A_466 = arith.constant 0 : i32
            %dma_start3A_467 = tpu.memref_slice %dma_start3A_465[%run_scoped3A_358, %dma_start3A_466] : memref<8x128xi32, #tpu.memory_space<vmem>> -> memref<1x128xi32, #tpu.memory_space<vmem>>
            %dma_start3A_468 = tpu.memref_squeeze %dma_start3A_467 : memref<1x128xi32, #tpu.memory_space<vmem>> -> memref<128xi32, #tpu.memory_space<vmem>>
            %dma_start3A_469 = arith.constant 0 : i32
            %dma_start3A_470 = arith.constant 0 : i32
            %dma_start3A_471 = tpu.memref_slice %arg2[%dma_start3A_469, %dma_start3A_470] : memref<1007616x32xf32, #tpu.memory_space<hbm>> -> memref<1007616x32xf32, #tpu.memory_space<hbm>>
            tpu.enqueue_indirect_dma source(%dma_start3A_471 : memref<1007616x32xf32, #tpu.memory_space<hbm>>) target(%dma_start3A_461 : memref<128x32xf32, #tpu.memory_space<vmem>>) offsets(%dma_start3A_468 : memref<128xi32, #tpu.memory_space<vmem>>) semaphore(%run_scoped3A_454 : memref<!tpu.dma_semaphore, #tpu.memory_space<semaphore_mem>>)
            %dma_wait3A = arith.constant 0 : i32
            %dma_wait3A_472 = arith.constant 0 : i32
            %dma_wait3A_473 = tpu.memref_slice %run_scoped3A_20[%rem3A_350, %dma_wait3A, %dma_wait3A_472] : memref<2x1024x32xf32, #tpu.memory_space<vmem>> -> memref<1x1024x32xf32, #tpu.memory_space<vmem>>
            %dma_wait3A_474 = tpu.memref_squeeze %dma_wait3A_473 : memref<1x1024x32xf32, #tpu.memory_space<vmem>> -> memref<1024x32xf32, #tpu.memory_space<vmem>>
            %dma_wait3A_475 = arith.constant 896 : i32
            %dma_wait3A_476 = arith.constant 0 : i32
            %dma_wait3A_477 = tpu.memref_slice %dma_wait3A_474[%dma_wait3A_475, %dma_wait3A_476] : memref<1024x32xf32, #tpu.memory_space<vmem>> -> memref<128x32xf32, #tpu.memory_space<vmem>>
            %dma_wait3A_478 = arith.constant 0 : i32
            %dma_wait3A_479 = arith.constant 0 : i32
            %dma_wait3A_480 = tpu.memref_slice %run_scoped3A[%rem3A_348, %dma_wait3A_478, %dma_wait3A_479] : memref<2x8x128xi32, #tpu.memory_space<vmem>> -> memref<1x8x128xi32, #tpu.memory_space<vmem>>
            %dma_wait3A_481 = tpu.memref_squeeze %dma_wait3A_480 : memref<1x8x128xi32, #tpu.memory_space<vmem>> -> memref<8x128xi32, #tpu.memory_space<vmem>>
            %dma_wait3A_482 = arith.constant 0 : i32
            %dma_wait3A_483 = tpu.memref_slice %dma_wait3A_481[%run_scoped3A_358, %dma_wait3A_482] : memref<8x128xi32, #tpu.memory_space<vmem>> -> memref<1x128xi32, #tpu.memory_space<vmem>>
            %dma_wait3A_484 = tpu.memref_squeeze %dma_wait3A_483 : memref<1x128xi32, #tpu.memory_space<vmem>> -> memref<128xi32, #tpu.memory_space<vmem>>
            %dma_wait3A_485 = arith.constant 0 : i32
            %dma_wait3A_486 = arith.constant 0 : i32
            %dma_wait3A_487 = tpu.memref_slice %arg2[%dma_wait3A_485, %dma_wait3A_486] : memref<1007616x32xf32, #tpu.memory_space<hbm>> -> memref<1007616x32xf32, #tpu.memory_space<hbm>>
            tpu.wait_indirect_dma semaphore(%run_scoped3A_454 : memref<!tpu.dma_semaphore, #tpu.memory_space<semaphore_mem>>) src(%dma_wait3A_487 : memref<1007616x32xf32, #tpu.memory_space<hbm>>) dst(%dma_wait3A_477 : memref<128x32xf32, #tpu.memory_space<vmem>>)
            tpu.yield
          }) : () -> ()
          "tpu.trace_stop"() : () -> ()
          %mul3A_359 = arith.constant 4 : i32
          %mul3A_360 = arith.muli %add3A_232, %mul3A_359 : i32
          %add3A_361 = arith.addi %mul3A_360, %add3A_234 : i32
          %mul3A_362 = arith.constant 4 : i32
          %mul3A_363 = arith.muli %add3A_268, %mul3A_362 : i32
          %add3A_364 = arith.addi %mul3A_363, %add3A_270 : i32
          %ne3A_365 = arith.cmpi ne, %add3A_361, %add3A_364 : i32
          %or3A_366 = arith.constant false
          %or3A_367 = arith.ori %or3A_366, %ne3A_365 : i1
          %or3A_368 = arith.constant false
          %or3A_369 = arith.ori %or3A_367, %or3A_368 : i1
          %or3A_370 = arith.ori %or3A_369, %eq3A_231 : i1
          %convert_element_type3A_371 = arith.extui %or3A_370 : i1 to i32
          %cond3A_372 = arith.constant 0 : i32
          %cond3A_373 = arith.cmpi ne, %convert_element_type3A_371, %cond3A_372 : i32
          scf.if %cond3A_373 {
          } else {
          }
          %and3A_374 = arith.constant false
          %and3A_375 = arith.andi %or3A_370, %and3A_374 : i1
          %ne3A_376 = arith.cmpi ne, %add3A_232, %add3A_268 : i32
          %ne3A_377 = arith.cmpi ne, %add3A_234, %add3A_270 : i32
          %or3A_378 = arith.constant false
          %or3A_379 = arith.ori %or3A_378, %ne3A_376 : i1
          %or3A_380 = arith.ori %or3A_379, %ne3A_377 : i1
          %or3A_381 = arith.ori %or3A_380, %eq3A_231 : i1
          %convert_element_type3A_382 = arith.extui %or3A_381 : i1 to i32
          %cond3A_383 = arith.constant 0 : i32
          %cond3A_384 = arith.cmpi ne, %convert_element_type3A_382, %cond3A_383 : i32
          scf.if %cond3A_384 {
            "tpu.trace_start"() <{level = 10 : i32, message = "ep_copy_out"}> : () -> ()
            %rem3A_454 = arith.constant 2 : i32
            %rem3A_455 = arith.remui %while3A_219, %rem3A_454 : i32
            %mul3A_456 = arith.constant 1024 : i32
            %mul3A_457 = arith.muli %mul3A_456, %add3A_232 : i32
            %mul3A_458 = arith.constant 32 : i32
            %mul3A_459 = arith.muli %mul3A_458, %add3A_234 : i32
            %dma_start3A_460 = arith.constant 0 : i32
            %dma_start3A_461 = arith.constant 0 : i32
            %dma_start3A_462 = tpu.memref_slice %run_scoped3A_20[%rem3A_455, %dma_start3A_460, %dma_start3A_461] : memref<2x1024x32xf32, #tpu.memory_space<vmem>> -> memref<1x1024x32xf32, #tpu.memory_space<vmem>>
            %dma_start3A_463 = tpu.memref_squeeze %dma_start3A_462 : memref<1x1024x32xf32, #tpu.memory_space<vmem>> -> memref<1024x32xf32, #tpu.memory_space<vmem>>
            %dma_start3A_464 = tpu.memref_slice %arg4[%mul3A_457, %mul3A_459] : memref<204800x128xf32, #tpu.memory_space<hbm>> -> memref<1024x32xf32, #tpu.memory_space<hbm>>
            %dma_start3A_465 = tpu.memref_slice %run_scoped3A_21[%rem3A_455] : memref<2x!tpu.dma_semaphore, #tpu.memory_space<semaphore_mem>> -> memref<1x!tpu.dma_semaphore, #tpu.memory_space<semaphore_mem>>
            %dma_start3A_466 = tpu.memref_squeeze %dma_start3A_465 : memref<1x!tpu.dma_semaphore, #tpu.memory_space<semaphore_mem>> -> memref<!tpu.dma_semaphore, #tpu.memory_space<semaphore_mem>>
            %dma_start3A_467 = tpu.memref_slice %arg4[%mul3A_457, %mul3A_459] : memref<204800x128xf32, #tpu.memory_space<hbm>> -> memref<1024x32xf32, #tpu.memory_space<hbm>>
            %dma_start3A_468 = arith.constant 0 : i32
            %dma_start3A_469 = arith.constant 0 : i32
            %dma_start3A_470 = tpu.memref_slice %run_scoped3A_20[%rem3A_455, %dma_start3A_468, %dma_start3A_469] : memref<2x1024x32xf32, #tpu.memory_space<vmem>> -> memref<1x1024x32xf32, #tpu.memory_space<vmem>>
            %dma_start3A_471 = tpu.memref_squeeze %dma_start3A_470 : memref<1x1024x32xf32, #tpu.memory_space<vmem>> -> memref<1024x32xf32, #tpu.memory_space<vmem>>
            tpu.enqueue_dma source(%dma_start3A_471 : memref<1024x32xf32, #tpu.memory_space<vmem>>) target(%dma_start3A_467 : memref<1024x32xf32, #tpu.memory_space<hbm>>) target_semaphore(%dma_start3A_466 : memref<!tpu.dma_semaphore, #tpu.memory_space<semaphore_mem>>)
            "tpu.trace_stop"() : () -> ()
          } else {
          }
          %and3A_385 = arith.constant true
          %and3A_386 = arith.andi %or3A_381, %and3A_385 : i1
          %add3A_387 = arith.constant 1 : i32
          %add3A_388 = arith.addi %while3A_219, %add3A_387 : i32
          %select_n3A_389 = arith.select %and3A_386, %add3A_388, %while3A_219 : i32
          %mul3A_390 = arith.constant 4 : i32
          %mul3A_391 = arith.muli %add3A_232, %mul3A_390 : i32
          %add3A_392 = arith.addi %mul3A_391, %add3A_234 : i32
          %mul3A_393 = arith.constant 4 : i32
          %mul3A_394 = arith.muli %add3A_251, %mul3A_393 : i32
          %add3A_395 = arith.addi %mul3A_394, %add3A_253 : i32
          %ne3A_396 = arith.cmpi ne, %add3A_392, %add3A_395 : i32
          %or3A_397 = arith.constant false
          %or3A_398 = arith.ori %or3A_397, %ne3A_396 : i1
          %or3A_399 = arith.constant false
          %or3A_400 = arith.ori %or3A_398, %or3A_399 : i1
          %not3A_401 = arith.constant true
          %not3A_402 = arith.xori %eq3A_228, %not3A_401 : i1
          %and3A_403 = arith.andi %or3A_400, %not3A_402 : i1
          %convert_element_type3A_404 = arith.extui %and3A_403 : i1 to i32
          %cond3A_405 = arith.constant 0 : i32
          %cond3A_406 = arith.cmpi ne, %convert_element_type3A_404, %cond3A_405 : i32
          scf.if %cond3A_406 {
          } else {
          }
          %and3A_407 = arith.constant false
          %and3A_408 = arith.andi %and3A_403, %and3A_407 : i1
          %ne3A_409 = arith.cmpi ne, %add3A_232, %add3A_251 : i32
          %ne3A_410 = arith.cmpi ne, %add3A_234, %add3A_253 : i32
          %or3A_411 = arith.constant false
          %or3A_412 = arith.ori %or3A_411, %ne3A_409 : i1
          %or3A_413 = arith.ori %or3A_412, %ne3A_410 : i1
          %not3A_414 = arith.constant true
          %not3A_415 = arith.xori %eq3A_228, %not3A_414 : i1
          %and3A_416 = arith.andi %or3A_413, %not3A_415 : i1
          %convert_element_type3A_417 = arith.extui %and3A_416 : i1 to i32
          %cond3A_418 = arith.constant 0 : i32
          %cond3A_419 = arith.cmpi ne, %convert_element_type3A_417, %cond3A_418 : i32
          scf.if %cond3A_419 {
            "tpu.trace_start"() <{level = 10 : i32, message = "ep_wait_out"}> : () -> ()
            %rem3A_454 = arith.constant 2 : i32
            %rem3A_455 = arith.remui %while3A_220, %rem3A_454 : i32
            %mul3A_456 = arith.constant 1024 : i32
            %mul3A_457 = arith.muli %mul3A_456, %add3A_251 : i32
            %mul3A_458 = arith.constant 32 : i32
            %mul3A_459 = arith.muli %mul3A_458, %add3A_253 : i32
            %dma_wait3A = arith.constant 0 : i32
            %dma_wait3A_460 = arith.constant 0 : i32
            %dma_wait3A_461 = tpu.memref_slice %run_scoped3A_20[%rem3A_455, %dma_wait3A, %dma_wait3A_460] : memref<2x1024x32xf32, #tpu.memory_space<vmem>> -> memref<1x1024x32xf32, #tpu.memory_space<vmem>>
            %dma_wait3A_462 = tpu.memref_squeeze %dma_wait3A_461 : memref<1x1024x32xf32, #tpu.memory_space<vmem>> -> memref<1024x32xf32, #tpu.memory_space<vmem>>
            %dma_wait3A_463 = tpu.memref_slice %arg4[%mul3A_457, %mul3A_459] : memref<204800x128xf32, #tpu.memory_space<hbm>> -> memref<1024x32xf32, #tpu.memory_space<hbm>>
            %dma_wait3A_464 = tpu.memref_slice %run_scoped3A_21[%rem3A_455] : memref<2x!tpu.dma_semaphore, #tpu.memory_space<semaphore_mem>> -> memref<1x!tpu.dma_semaphore, #tpu.memory_space<semaphore_mem>>
            %dma_wait3A_465 = tpu.memref_squeeze %dma_wait3A_464 : memref<1x!tpu.dma_semaphore, #tpu.memory_space<semaphore_mem>> -> memref<!tpu.dma_semaphore, #tpu.memory_space<semaphore_mem>>
            %dma_wait3A_466 = tpu.memref_slice %arg4[%mul3A_457, %mul3A_459] : memref<204800x128xf32, #tpu.memory_space<hbm>> -> memref<1024x32xf32, #tpu.memory_space<hbm>>
            %dma_wait3A_467 = arith.constant 0 : i32
            %dma_wait3A_468 = arith.constant 0 : i32
            %dma_wait3A_469 = tpu.memref_slice %run_scoped3A_20[%rem3A_455, %dma_wait3A_467, %dma_wait3A_468] : memref<2x1024x32xf32, #tpu.memory_space<vmem>> -> memref<1x1024x32xf32, #tpu.memory_space<vmem>>
            %dma_wait3A_470 = tpu.memref_squeeze %dma_wait3A_469 : memref<1x1024x32xf32, #tpu.memory_space<vmem>> -> memref<1024x32xf32, #tpu.memory_space<vmem>>
            tpu.wait_dma2 semaphore(%dma_wait3A_465 : memref<!tpu.dma_semaphore, #tpu.memory_space<semaphore_mem>>) src(%dma_wait3A_470 : memref<1024x32xf32, #tpu.memory_space<vmem>>) dst(%dma_wait3A_466 : memref<1024x32xf32, #tpu.memory_space<hbm>>)
            "tpu.trace_stop"() : () -> ()
          } else {
          }
          %and3A_420 = arith.constant true
          %and3A_421 = arith.andi %and3A_416, %and3A_420 : i1
          %add3A_422 = arith.constant 1 : i32
          %add3A_423 = arith.addi %while3A_220, %add3A_422 : i32
          %select_n3A_424 = arith.select %and3A_421, %add3A_423, %while3A_220 : i32
          %mul3A_425 = arith.constant 4 : i32
          %mul3A_426 = arith.muli %add3A_232, %mul3A_425 : i32
          %add3A_427 = arith.addi %mul3A_426, %add3A_234 : i32
          %mul3A_428 = arith.constant 4 : i32
          %mul3A_429 = arith.muli %add3A_268, %mul3A_428 : i32
          %add3A_430 = arith.addi %mul3A_429, %add3A_270 : i32
          %ne3A_431 = arith.cmpi ne, %add3A_427, %add3A_430 : i32
          %or3A_432 = arith.constant false
          %or3A_433 = arith.ori %or3A_432, %ne3A_431 : i1
          %or3A_434 = arith.constant false
          %or3A_435 = arith.ori %or3A_433, %or3A_434 : i1
          %or3A_436 = arith.ori %or3A_435, %eq3A_231 : i1
          %add3A_437 = arith.constant 1 : i32
          %add3A_438 = arith.addi %while3A_218, %add3A_437 : i32
          %select_n3A_439 = arith.select %or3A_436, %add3A_438, %while3A_218 : i32
          %add3A_440 = arith.constant 1 : i32
          %add3A_441 = arith.addi %while3A_222, %add3A_440 : i32
          %select_n3A_442 = arith.constant true
          %select_n3A_443 = arith.select %select_n3A_442, %add3A_441, %while3A_222 : i32
          %eq3A_444 = arith.constant 4 : i32
          %eq3A_445 = arith.cmpi eq, %select_n3A_443, %eq3A_444 : i32
          %select_n3A_446 = arith.constant 0 : i32
          %select_n3A_447 = arith.select %eq3A_445, %select_n3A_446, %select_n3A_443 : i32
          %add3A_448 = arith.constant 1 : i32
          %add3A_449 = arith.addi %while3A_221, %add3A_448 : i32
          %select_n3A_450 = arith.select %eq3A_445, %add3A_449, %while3A_221 : i32
          %eq3A_451 = arith.cmpi eq, %select_n3A_450, %select_n3A : i32
          %select_n3A_452 = arith.constant 0 : i32
          %select_n3A_453 = arith.select %eq3A_451, %select_n3A_452, %select_n3A_450 : i32
          scf.yield %select_n3A_309, %select_n3A_439, %select_n3A_389, %select_n3A_424, %select_n3A_453, %select_n3A_447 : i32, i32, i32, i32, i32, i32
        }
        %sub3A_127 = arith.constant 1 : i32
        %sub3A_128 = arith.subi %while3A_126#5, %sub3A_127 : i32
        %select_n3A_129 = arith.constant true
        %select_n3A_130 = arith.select %select_n3A_129, %sub3A_128, %while3A_126#5 : i32
        %eq3A_131 = arith.constant -1 : i32
        %eq3A_132 = arith.cmpi eq, %select_n3A_130, %eq3A_131 : i32
        %select_n3A_133 = arith.constant 3 : i32
        %select_n3A_134 = arith.select %eq3A_132, %select_n3A_133, %select_n3A_130 : i32
        %sub3A_135 = arith.constant 1 : i32
        %sub3A_136 = arith.subi %while3A_126#4, %sub3A_135 : i32
        %select_n3A_137 = arith.select %eq3A_132, %sub3A_136, %while3A_126#4 : i32
        %eq3A_138 = arith.constant -1 : i32
        %eq3A_139 = arith.cmpi eq, %select_n3A_137, %eq3A_138 : i32
        %sub3A_140 = arith.constant 1 : i32
        %sub3A_141 = arith.subi %select_n3A, %sub3A_140 : i32
        %select_n3A_142 = arith.select %eq3A_139, %sub3A_141, %select_n3A_137 : i32
        %sub3A_143 = arith.constant 1 : i32
        %sub3A_144 = arith.subi %mul3A_18, %sub3A_143 : i32
        %mul3A_145 = arith.constant 1 : i32
        %mul3A_146 = arith.muli %mul3A_145, %select_n3A : i32
        %mul3A_147 = arith.constant 4 : i32
        %mul3A_148 = arith.muli %mul3A_146, %mul3A_147 : i32
        %eq3A_149 = arith.constant 0 : i32
        %eq3A_150 = arith.cmpi eq, %sub3A_144, %eq3A_149 : i32
        %sub3A_151 = arith.constant 1 : i32
        %sub3A_152 = arith.subi %mul3A_148, %sub3A_151 : i32
        %eq3A_153 = arith.cmpi eq, %sub3A_144, %sub3A_152 : i32
        %add3A_154 = arith.addi %select_n3A_142, %select_n3A_14 : i32
        %add3A_155 = arith.constant 0 : i32
        %add3A_156 = arith.addi %select_n3A_134, %add3A_155 : i32
        %sub3A_157 = arith.constant 1 : i32
        %sub3A_158 = arith.subi %select_n3A_134, %sub3A_157 : i32
        %select_n3A_159 = arith.constant true
        %select_n3A_160 = arith.select %select_n3A_159, %sub3A_158, %select_n3A_134 : i32
        %eq3A_161 = arith.constant -1 : i32
        %eq3A_162 = arith.cmpi eq, %select_n3A_160, %eq3A_161 : i32
        %select_n3A_163 = arith.constant 3 : i32
        %select_n3A_164 = arith.select %eq3A_162, %select_n3A_163, %select_n3A_160 : i32
        %sub3A_165 = arith.constant 1 : i32
        %sub3A_166 = arith.subi %select_n3A_142, %sub3A_165 : i32
        %select_n3A_167 = arith.select %eq3A_162, %sub3A_166, %select_n3A_142 : i32
        %eq3A_168 = arith.constant -1 : i32
        %eq3A_169 = arith.cmpi eq, %select_n3A_167, %eq3A_168 : i32
        %sub3A_170 = arith.constant 1 : i32
        %sub3A_171 = arith.subi %select_n3A, %sub3A_170 : i32
        %select_n3A_172 = arith.select %eq3A_169, %sub3A_171, %select_n3A_167 : i32
        %add3A_173 = arith.addi %select_n3A_172, %select_n3A_14 : i32
        %add3A_174 = arith.constant 0 : i32
        %add3A_175 = arith.addi %select_n3A_164, %add3A_174 : i32
        %add3A_176 = arith.constant 1 : i32
        %add3A_177 = arith.addi %select_n3A_134, %add3A_176 : i32
        %select_n3A_178 = arith.constant true
        %select_n3A_179 = arith.select %select_n3A_178, %add3A_177, %select_n3A_134 : i32
        %eq3A_180 = arith.constant 4 : i32
        %eq3A_181 = arith.cmpi eq, %select_n3A_179, %eq3A_180 : i32
        %select_n3A_182 = arith.constant 0 : i32
        %select_n3A_183 = arith.select %eq3A_181, %select_n3A_182, %select_n3A_179 : i32
        %add3A_184 = arith.constant 1 : i32
        %add3A_185 = arith.addi %select_n3A_142, %add3A_184 : i32
        %select_n3A_186 = arith.select %eq3A_181, %add3A_185, %select_n3A_142 : i32
        %eq3A_187 = arith.cmpi eq, %select_n3A_186, %select_n3A : i32
        %select_n3A_188 = arith.constant 0 : i32
        %select_n3A_189 = arith.select %eq3A_187, %select_n3A_188, %select_n3A_186 : i32
        %add3A_190 = arith.addi %select_n3A_189, %select_n3A_14 : i32
        %add3A_191 = arith.constant 0 : i32
        %add3A_192 = arith.addi %select_n3A_183, %add3A_191 : i32
        %add3A_193 = arith.constant 1 : i32
        %add3A_194 = arith.addi %select_n3A_183, %add3A_193 : i32
        %select_n3A_195 = arith.constant true
        %select_n3A_196 = arith.select %select_n3A_195, %add3A_194, %select_n3A_183 : i32
        %eq3A_197 = arith.constant 4 : i32
        %eq3A_198 = arith.cmpi eq, %select_n3A_196, %eq3A_197 : i32
        %select_n3A_199 = arith.constant 0 : i32
        %select_n3A_200 = arith.select %eq3A_198, %select_n3A_199, %select_n3A_196 : i32
        %add3A_201 = arith.constant 1 : i32
        %add3A_202 = arith.addi %select_n3A_189, %add3A_201 : i32
        %select_n3A_203 = arith.select %eq3A_198, %add3A_202, %select_n3A_189 : i32
        %eq3A_204 = arith.cmpi eq, %select_n3A_203, %select_n3A : i32
        %select_n3A_205 = arith.constant 0 : i32
        %select_n3A_206 = arith.select %eq3A_204, %select_n3A_205, %select_n3A_203 : i32
        %add3A_207 = arith.addi %select_n3A_206, %select_n3A_14 : i32
        %add3A_208 = arith.constant 0 : i32
        %add3A_209 = arith.addi %select_n3A_200, %add3A_208 : i32
        %convert_element_type3A_210 = arith.extui %eq3A_153 : i1 to i32
        %cond3A_211 = arith.constant 0 : i32
        %cond3A_212 = arith.cmpi ne, %convert_element_type3A_210, %cond3A_211 : i32
        scf.if %cond3A_212 {
        } else {
        }
        %convert_element_type3A_213 = arith.extui %eq3A_153 : i1 to i32
        %cond3A_214 = arith.constant 0 : i32
        %cond3A_215 = arith.cmpi ne, %convert_element_type3A_213, %cond3A_214 : i32
        scf.if %cond3A_215 {
          "tpu.trace_start"() <{level = 10 : i32, message = "ep_finalize"}> : () -> ()
          %rem3A_216 = arith.constant 2 : i32
          %rem3A_217 = arith.remui %while3A_126#3, %rem3A_216 : i32
          %mul3A_218 = arith.constant 1024 : i32
          %mul3A_219 = arith.muli %mul3A_218, %add3A_154 : i32
          %mul3A_220 = arith.constant 32 : i32
          %mul3A_221 = arith.muli %mul3A_220, %add3A_156 : i32
          %dma_wait3A = arith.constant 0 : i32
          %dma_wait3A_222 = arith.constant 0 : i32
          %dma_wait3A_223 = tpu.memref_slice %run_scoped3A_20[%rem3A_217, %dma_wait3A, %dma_wait3A_222] : memref<2x1024x32xf32, #tpu.memory_space<vmem>> -> memref<1x1024x32xf32, #tpu.memory_space<vmem>>
          %dma_wait3A_224 = tpu.memref_squeeze %dma_wait3A_223 : memref<1x1024x32xf32, #tpu.memory_space<vmem>> -> memref<1024x32xf32, #tpu.memory_space<vmem>>
          %dma_wait3A_225 = tpu.memref_slice %arg4[%mul3A_219, %mul3A_221] : memref<204800x128xf32, #tpu.memory_space<hbm>> -> memref<1024x32xf32, #tpu.memory_space<hbm>>
          %dma_wait3A_226 = tpu.memref_slice %run_scoped3A_21[%rem3A_217] : memref<2x!tpu.dma_semaphore, #tpu.memory_space<semaphore_mem>> -> memref<1x!tpu.dma_semaphore, #tpu.memory_space<semaphore_mem>>
          %dma_wait3A_227 = tpu.memref_squeeze %dma_wait3A_226 : memref<1x!tpu.dma_semaphore, #tpu.memory_space<semaphore_mem>> -> memref<!tpu.dma_semaphore, #tpu.memory_space<semaphore_mem>>
          %dma_wait3A_228 = tpu.memref_slice %arg4[%mul3A_219, %mul3A_221] : memref<204800x128xf32, #tpu.memory_space<hbm>> -> memref<1024x32xf32, #tpu.memory_space<hbm>>
          %dma_wait3A_229 = arith.constant 0 : i32
          %dma_wait3A_230 = arith.constant 0 : i32
          %dma_wait3A_231 = tpu.memref_slice %run_scoped3A_20[%rem3A_217, %dma_wait3A_229, %dma_wait3A_230] : memref<2x1024x32xf32, #tpu.memory_space<vmem>> -> memref<1x1024x32xf32, #tpu.memory_space<vmem>>
          %dma_wait3A_232 = tpu.memref_squeeze %dma_wait3A_231 : memref<1x1024x32xf32, #tpu.memory_space<vmem>> -> memref<1024x32xf32, #tpu.memory_space<vmem>>
          tpu.wait_dma2 semaphore(%dma_wait3A_227 : memref<!tpu.dma_semaphore, #tpu.memory_space<semaphore_mem>>) src(%dma_wait3A_232 : memref<1024x32xf32, #tpu.memory_space<vmem>>) dst(%dma_wait3A_228 : memref<1024x32xf32, #tpu.memory_space<hbm>>)
          "tpu.trace_stop"() : () -> ()
        } else {
        }
      } else {
      }
      tpu.yield
    }) : () -> ()
    return
  }
}

module attributes {stable_mosaic.version = 14 : i64} {
  func.func @body(%arg0: i32, %arg1: memref<32x8192xf32, #tpu.memory_space<vmem>>, %arg2: memref<2048x128xf32, #tpu.memory_space<vmem>>) attributes {dimension_semantics = [#tpu.dimension_semantics<parallel>], iteration_bounds = array<i64: 123>, scalar_prefetch = 0 : i64, scratch_operands = 0 : i64, tpu.core_type = #tpu.core_type<tc>, window_params = [{transform_indices = @transform_0, window_bounds = array<i64: 32, 8192>}, {transform_indices = @transform_1, window_bounds = array<i64: 2048, 128>}]} {
    %get3A = arith.constant 0 : index
    %get3A_0 = arith.constant 0 : index
    %get3A_1 = vector.load %arg1[%get3A, %get3A_0] : memref<32x8192xf32, #tpu.memory_space<vmem>>, vector<32x8192xf32>
    %slice3A = vector.extract_strided_slice %get3A_1 {offsets = [0, 0], sizes = [32, 2048], strides = [1, 1]} : vector<32x8192xf32> to vector<32x2048xf32>
    %slice3A_2 = vector.extract_strided_slice %get3A_1 {offsets = [0, 2048], sizes = [32, 2048], strides = [1, 1]} : vector<32x8192xf32> to vector<32x2048xf32>
    %slice3A_3 = vector.extract_strided_slice %get3A_1 {offsets = [0, 4096], sizes = [32, 2048], strides = [1, 1]} : vector<32x8192xf32> to vector<32x2048xf32>
    %slice3A_4 = vector.extract_strided_slice %get3A_1 {offsets = [0, 6144], sizes = [32, 2048], strides = [1, 1]} : vector<32x8192xf32> to vector<32x2048xf32>
    %concatenate3A = tpu.concatenate %slice3A, %slice3A_2, %slice3A_3, %slice3A_4 in 0 : vector<32x2048xf32>, vector<32x2048xf32>, vector<32x2048xf32>, vector<32x2048xf32> -> vector<128x2048xf32>
    %transpose3A = tpu.transpose %concatenate3A, [1, 0] : vector<128x2048xf32> -> vector<2048x128xf32>
    %swap3A = arith.constant 0 : index
    %swap3A_5 = arith.constant 0 : index
    %swap3A_6 = vector.load %arg2[%swap3A, %swap3A_5] : memref<2048x128xf32, #tpu.memory_space<vmem>>, vector<2048x128xf32>
    tpu.vector_store %arg2[%swap3A, %swap3A_5], %transpose3A {strides = array<i32>} : memref<2048x128xf32, #tpu.memory_space<vmem>>, vector<2048x128xf32>,
    return
  }
  func.func @transform_0(%arg0: i32) -> (i32, i32) {
    %c0_i32 = arith.constant 0 : i32
    %c0_i32_0 = arith.constant 0 : i32
    return %c0_i32, %arg0 : i32, i32
  }
  func.func @transform_1(%arg0: i32) -> (i32, i32) {
    %c0_i32 = arith.constant 0 : i32
    %c0_i32_0 = arith.constant 0 : i32
    return %arg0, %c0_i32 : i32, i32
  }
}

module attributes {stable_mosaic.version = 14 : i64} {
  func.func @body(%arg0: i32, %arg1: memref<2x1024x128xf32, #tpu.memory_space<vmem>>, %arg2: memref<128x128xf32, #tpu.memory_space<vmem>>, %arg3: memref<128x1xf32, #tpu.memory_space<vmem>>, %arg4: memref<2x32x4096xf32, #tpu.memory_space<vmem>>, %arg5: memref<2x32x4096xf32, #tpu.memory_space<vmem>>) attributes {dimension_semantics = [#tpu.dimension_semantics<parallel>], iteration_bounds = array<i64: 100>, scalar_prefetch = 0 : i64, scratch_operands = 0 : i64, tpu.core_type = #tpu.core_type<tc>, window_params = [{transform_indices = @transform_0, window_bounds = array<i64: 2, 1024, 128>}, {pipeline_mode = #tpu.pipeline_mode<synchronous>, transform_indices = @transform_1, window_bounds = array<i64: 128, 128>}, {pipeline_mode = #tpu.pipeline_mode<synchronous>, transform_indices = @transform_2, window_bounds = array<i64: 128, 1>}, {transform_indices = @transform_3, window_bounds = array<i64: 2, 32, 4096>}, {transform_indices = @transform_4, window_bounds = array<i64: 2, 32, 4096>}]} {
    %get3A = arith.constant 0 : index
    %get3A_0 = arith.constant 0 : index
    %get3A_1 = arith.constant 0 : index
    %get3A_2 = vector.load %arg1[%get3A, %get3A_0, %get3A_1] : memref<2x1024x128xf32, #tpu.memory_space<vmem>>, vector<1x1024x128xf32>
    %get3A_3 = vector.shape_cast %get3A_2 : vector<1x1024x128xf32> to vector<1024x128xf32>
    %transpose3A = tpu.transpose %get3A_3, [1, 0] : vector<1024x128xf32> -> vector<128x1024xf32>
    %get3A_4 = arith.constant 0 : index
    %get3A_5 = arith.constant 0 : index
    %get3A_6 = vector.load %arg2[%get3A_4, %get3A_5] : memref<128x128xf32, #tpu.memory_space<vmem>>, vector<128x128xf32>
    %dot_general3A = arith.constant dense<0.000000e+00> : vector<128x1024xf32>
    %dot_general3A_7 = tpu.matmul %get3A_6, %transpose3A, %dot_general3A {dimension_numbers = #tpu.dot_dimension_numbers<[1], [0], [0], [1], [0, 0, 1, 1], [], []>, transpose_lhs_hint = false} : vector<128x128xf32>, vector<128x1024xf32>, vector<128x1024xf32> -> vector<128x1024xf32>
    %get3A_8 = arith.constant 0 : index
    %get3A_9 = arith.constant 0 : index
    %get3A_10 = vector.load %arg3[%get3A_8, %get3A_9] : memref<128x1xf32, #tpu.memory_space<vmem>>, vector<128x1xf32>
    %add3A = vector.broadcast %get3A_10 : vector<128x1xf32> to vector<128x1024xf32>
    %add3A_11 = arith.addf %dot_general3A_7, %add3A : vector<128x1024xf32>
    %tanh3A = math.tanh %add3A_11 : vector<128x1024xf32>
    %mul3A = arith.constant 1.000000e-01 : f32
    %mul3A_12 = vector.broadcast %mul3A : f32 to vector<128x1024xf32>
    %mul3A_13 = arith.mulf %tanh3A, %mul3A_12 : vector<128x1024xf32>
    %slice3A = vector.extract_strided_slice %transpose3A {offsets = [0, 0], sizes = [32, 1024], strides = [1, 1]} : vector<128x1024xf32> to vector<32x1024xf32>
    %swap3A = arith.constant 0 : index
    %swap3A_14 = arith.constant 0 : index
    %swap3A_15 = arith.constant 0 : index
    %swap3A_16 = vector.load %arg4[%swap3A, %swap3A_14, %swap3A_15] : memref<2x32x4096xf32, #tpu.memory_space<vmem>>, vector<1x32x1024xf32>
    %swap3A_17 = vector.shape_cast %swap3A_16 : vector<1x32x1024xf32> to vector<32x1024xf32>
    %swap3A_18 = vector.shape_cast %slice3A : vector<32x1024xf32> to vector<1x32x1024xf32>
    tpu.vector_store %arg4[%swap3A, %swap3A_14, %swap3A_15], %swap3A_18 {strides = array<i32>} : memref<2x32x4096xf32, #tpu.memory_space<vmem>>, vector<1x32x1024xf32>,
    %slice3A_19 = vector.extract_strided_slice %mul3A_13 {offsets = [0, 0], sizes = [32, 1024], strides = [1, 1]} : vector<128x1024xf32> to vector<32x1024xf32>
    %swap3A_20 = arith.constant 0 : index
    %swap3A_21 = arith.constant 0 : index
    %swap3A_22 = arith.constant 0 : index
    %swap3A_23 = vector.load %arg5[%swap3A_20, %swap3A_21, %swap3A_22] : memref<2x32x4096xf32, #tpu.memory_space<vmem>>, vector<1x32x1024xf32>
    %swap3A_24 = vector.shape_cast %swap3A_23 : vector<1x32x1024xf32> to vector<32x1024xf32>
    %swap3A_25 = vector.shape_cast %slice3A_19 : vector<32x1024xf32> to vector<1x32x1024xf32>
    tpu.vector_store %arg5[%swap3A_20, %swap3A_21, %swap3A_22], %swap3A_25 {strides = array<i32>} : memref<2x32x4096xf32, #tpu.memory_space<vmem>>, vector<1x32x1024xf32>,
    %slice3A_26 = vector.extract_strided_slice %transpose3A {offsets = [32, 0], sizes = [32, 1024], strides = [1, 1]} : vector<128x1024xf32> to vector<32x1024xf32>
    %swap3A_27 = arith.constant 0 : index
    %swap3A_28 = arith.constant 0 : index
    %swap3A_29 = arith.constant 1024 : index
    %swap3A_30 = vector.load %arg4[%swap3A_27, %swap3A_28, %swap3A_29] : memref<2x32x4096xf32, #tpu.memory_space<vmem>>, vector<1x32x1024xf32>
    %swap3A_31 = vector.shape_cast %swap3A_30 : vector<1x32x1024xf32> to vector<32x1024xf32>
    %swap3A_32 = vector.shape_cast %slice3A_26 : vector<32x1024xf32> to vector<1x32x1024xf32>
    tpu.vector_store %arg4[%swap3A_27, %swap3A_28, %swap3A_29], %swap3A_32 {strides = array<i32>} : memref<2x32x4096xf32, #tpu.memory_space<vmem>>, vector<1x32x1024xf32>,
    %slice3A_33 = vector.extract_strided_slice %mul3A_13 {offsets = [32, 0], sizes = [32, 1024], strides = [1, 1]} : vector<128x1024xf32> to vector<32x1024xf32>
    %swap3A_34 = arith.constant 0 : index
    %swap3A_35 = arith.constant 0 : index
    %swap3A_36 = arith.constant 1024 : index
    %swap3A_37 = vector.load %arg5[%swap3A_34, %swap3A_35, %swap3A_36] : memref<2x32x4096xf32, #tpu.memory_space<vmem>>, vector<1x32x1024xf32>
    %swap3A_38 = vector.shape_cast %swap3A_37 : vector<1x32x1024xf32> to vector<32x1024xf32>
    %swap3A_39 = vector.shape_cast %slice3A_33 : vector<32x1024xf32> to vector<1x32x1024xf32>
    tpu.vector_store %arg5[%swap3A_34, %swap3A_35, %swap3A_36], %swap3A_39 {strides = array<i32>} : memref<2x32x4096xf32, #tpu.memory_space<vmem>>, vector<1x32x1024xf32>,
    %slice3A_40 = vector.extract_strided_slice %transpose3A {offsets = [64, 0], sizes = [32, 1024], strides = [1, 1]} : vector<128x1024xf32> to vector<32x1024xf32>
    %swap3A_41 = arith.constant 0 : index
    %swap3A_42 = arith.constant 0 : index
    %swap3A_43 = arith.constant 2048 : index
    %swap3A_44 = vector.load %arg4[%swap3A_41, %swap3A_42, %swap3A_43] : memref<2x32x4096xf32, #tpu.memory_space<vmem>>, vector<1x32x1024xf32>
    %swap3A_45 = vector.shape_cast %swap3A_44 : vector<1x32x1024xf32> to vector<32x1024xf32>
    %swap3A_46 = vector.shape_cast %slice3A_40 : vector<32x1024xf32> to vector<1x32x1024xf32>
    tpu.vector_store %arg4[%swap3A_41, %swap3A_42, %swap3A_43], %swap3A_46 {strides = array<i32>} : memref<2x32x4096xf32, #tpu.memory_space<vmem>>, vector<1x32x1024xf32>,
    %slice3A_47 = vector.extract_strided_slice %mul3A_13 {offsets = [64, 0], sizes = [32, 1024], strides = [1, 1]} : vector<128x1024xf32> to vector<32x1024xf32>
    %swap3A_48 = arith.constant 0 : index
    %swap3A_49 = arith.constant 0 : index
    %swap3A_50 = arith.constant 2048 : index
    %swap3A_51 = vector.load %arg5[%swap3A_48, %swap3A_49, %swap3A_50] : memref<2x32x4096xf32, #tpu.memory_space<vmem>>, vector<1x32x1024xf32>
    %swap3A_52 = vector.shape_cast %swap3A_51 : vector<1x32x1024xf32> to vector<32x1024xf32>
    %swap3A_53 = vector.shape_cast %slice3A_47 : vector<32x1024xf32> to vector<1x32x1024xf32>
    tpu.vector_store %arg5[%swap3A_48, %swap3A_49, %swap3A_50], %swap3A_53 {strides = array<i32>} : memref<2x32x4096xf32, #tpu.memory_space<vmem>>, vector<1x32x1024xf32>,
    %slice3A_54 = vector.extract_strided_slice %transpose3A {offsets = [96, 0], sizes = [32, 1024], strides = [1, 1]} : vector<128x1024xf32> to vector<32x1024xf32>
    %swap3A_55 = arith.constant 0 : index
    %swap3A_56 = arith.constant 0 : index
    %swap3A_57 = arith.constant 3072 : index
    %swap3A_58 = vector.load %arg4[%swap3A_55, %swap3A_56, %swap3A_57] : memref<2x32x4096xf32, #tpu.memory_space<vmem>>, vector<1x32x1024xf32>
    %swap3A_59 = vector.shape_cast %swap3A_58 : vector<1x32x1024xf32> to vector<32x1024xf32>
    %swap3A_60 = vector.shape_cast %slice3A_54 : vector<32x1024xf32> to vector<1x32x1024xf32>
    tpu.vector_store %arg4[%swap3A_55, %swap3A_56, %swap3A_57], %swap3A_60 {strides = array<i32>} : memref<2x32x4096xf32, #tpu.memory_space<vmem>>, vector<1x32x1024xf32>,
    %slice3A_61 = vector.extract_strided_slice %mul3A_13 {offsets = [96, 0], sizes = [32, 1024], strides = [1, 1]} : vector<128x1024xf32> to vector<32x1024xf32>
    %swap3A_62 = arith.constant 0 : index
    %swap3A_63 = arith.constant 0 : index
    %swap3A_64 = arith.constant 3072 : index
    %swap3A_65 = vector.load %arg5[%swap3A_62, %swap3A_63, %swap3A_64] : memref<2x32x4096xf32, #tpu.memory_space<vmem>>, vector<1x32x1024xf32>
    %swap3A_66 = vector.shape_cast %swap3A_65 : vector<1x32x1024xf32> to vector<32x1024xf32>
    %swap3A_67 = vector.shape_cast %slice3A_61 : vector<32x1024xf32> to vector<1x32x1024xf32>
    tpu.vector_store %arg5[%swap3A_62, %swap3A_63, %swap3A_64], %swap3A_67 {strides = array<i32>} : memref<2x32x4096xf32, #tpu.memory_space<vmem>>, vector<1x32x1024xf32>,
    %get3A_68 = arith.constant 1 : index
    %get3A_69 = arith.constant 0 : index
    %get3A_70 = arith.constant 0 : index
    %get3A_71 = vector.load %arg1[%get3A_68, %get3A_69, %get3A_70] : memref<2x1024x128xf32, #tpu.memory_space<vmem>>, vector<1x1024x128xf32>
    %get3A_72 = vector.shape_cast %get3A_71 : vector<1x1024x128xf32> to vector<1024x128xf32>
    %transpose3A_73 = tpu.transpose %get3A_72, [1, 0] : vector<1024x128xf32> -> vector<128x1024xf32>
    %get3A_74 = arith.constant 0 : index
    %get3A_75 = arith.constant 0 : index
    %get3A_76 = vector.load %arg2[%get3A_74, %get3A_75] : memref<128x128xf32, #tpu.memory_space<vmem>>, vector<128x128xf32>
    %dot_general3A_77 = arith.constant dense<0.000000e+00> : vector<128x1024xf32>
    %dot_general3A_78 = tpu.matmul %get3A_76, %transpose3A_73, %dot_general3A_77 {dimension_numbers = #tpu.dot_dimension_numbers<[1], [0], [0], [1], [0, 0, 1, 1], [], []>, transpose_lhs_hint = false} : vector<128x128xf32>, vector<128x1024xf32>, vector<128x1024xf32> -> vector<128x1024xf32>
    %get3A_79 = arith.constant 0 : index
    %get3A_80 = arith.constant 0 : index
    %get3A_81 = vector.load %arg3[%get3A_79, %get3A_80] : memref<128x1xf32, #tpu.memory_space<vmem>>, vector<128x1xf32>
    %add3A_82 = vector.broadcast %get3A_81 : vector<128x1xf32> to vector<128x1024xf32>
    %add3A_83 = arith.addf %dot_general3A_78, %add3A_82 : vector<128x1024xf32>
    %tanh3A_84 = math.tanh %add3A_83 : vector<128x1024xf32>
    %mul3A_85 = arith.constant 1.000000e-01 : f32
    %mul3A_86 = vector.broadcast %mul3A_85 : f32 to vector<128x1024xf32>
    %mul3A_87 = arith.mulf %tanh3A_84, %mul3A_86 : vector<128x1024xf32>
    %slice3A_88 = vector.extract_strided_slice %transpose3A_73 {offsets = [0, 0], sizes = [32, 1024], strides = [1, 1]} : vector<128x1024xf32> to vector<32x1024xf32>
    %swap3A_89 = arith.constant 1 : index
    %swap3A_90 = arith.constant 0 : index
    %swap3A_91 = arith.constant 0 : index
    %swap3A_92 = vector.load %arg4[%swap3A_89, %swap3A_90, %swap3A_91] : memref<2x32x4096xf32, #tpu.memory_space<vmem>>, vector<1x32x1024xf32>
    %swap3A_93 = vector.shape_cast %swap3A_92 : vector<1x32x1024xf32> to vector<32x1024xf32>
    %swap3A_94 = vector.shape_cast %slice3A_88 : vector<32x1024xf32> to vector<1x32x1024xf32>
    tpu.vector_store %arg4[%swap3A_89, %swap3A_90, %swap3A_91], %swap3A_94 {strides = array<i32>} : memref<2x32x4096xf32, #tpu.memory_space<vmem>>, vector<1x32x1024xf32>,
    %slice3A_95 = vector.extract_strided_slice %mul3A_87 {offsets = [0, 0], sizes = [32, 1024], strides = [1, 1]} : vector<128x1024xf32> to vector<32x1024xf32>
    %swap3A_96 = arith.constant 1 : index
    %swap3A_97 = arith.constant 0 : index
    %swap3A_98 = arith.constant 0 : index
    %swap3A_99 = vector.load %arg5[%swap3A_96, %swap3A_97, %swap3A_98] : memref<2x32x4096xf32, #tpu.memory_space<vmem>>, vector<1x32x1024xf32>
    %swap3A_100 = vector.shape_cast %swap3A_99 : vector<1x32x1024xf32> to vector<32x1024xf32>
    %swap3A_101 = vector.shape_cast %slice3A_95 : vector<32x1024xf32> to vector<1x32x1024xf32>
    tpu.vector_store %arg5[%swap3A_96, %swap3A_97, %swap3A_98], %swap3A_101 {strides = array<i32>} : memref<2x32x4096xf32, #tpu.memory_space<vmem>>, vector<1x32x1024xf32>,
    %slice3A_102 = vector.extract_strided_slice %transpose3A_73 {offsets = [32, 0], sizes = [32, 1024], strides = [1, 1]} : vector<128x1024xf32> to vector<32x1024xf32>
    %swap3A_103 = arith.constant 1 : index
    %swap3A_104 = arith.constant 0 : index
    %swap3A_105 = arith.constant 1024 : index
    %swap3A_106 = vector.load %arg4[%swap3A_103, %swap3A_104, %swap3A_105] : memref<2x32x4096xf32, #tpu.memory_space<vmem>>, vector<1x32x1024xf32>
    %swap3A_107 = vector.shape_cast %swap3A_106 : vector<1x32x1024xf32> to vector<32x1024xf32>
    %swap3A_108 = vector.shape_cast %slice3A_102 : vector<32x1024xf32> to vector<1x32x1024xf32>
    tpu.vector_store %arg4[%swap3A_103, %swap3A_104, %swap3A_105], %swap3A_108 {strides = array<i32>} : memref<2x32x4096xf32, #tpu.memory_space<vmem>>, vector<1x32x1024xf32>,
    %slice3A_109 = vector.extract_strided_slice %mul3A_87 {offsets = [32, 0], sizes = [32, 1024], strides = [1, 1]} : vector<128x1024xf32> to vector<32x1024xf32>
    %swap3A_110 = arith.constant 1 : index
    %swap3A_111 = arith.constant 0 : index
    %swap3A_112 = arith.constant 1024 : index
    %swap3A_113 = vector.load %arg5[%swap3A_110, %swap3A_111, %swap3A_112] : memref<2x32x4096xf32, #tpu.memory_space<vmem>>, vector<1x32x1024xf32>
    %swap3A_114 = vector.shape_cast %swap3A_113 : vector<1x32x1024xf32> to vector<32x1024xf32>
    %swap3A_115 = vector.shape_cast %slice3A_109 : vector<32x1024xf32> to vector<1x32x1024xf32>
    tpu.vector_store %arg5[%swap3A_110, %swap3A_111, %swap3A_112], %swap3A_115 {strides = array<i32>} : memref<2x32x4096xf32, #tpu.memory_space<vmem>>, vector<1x32x1024xf32>,
    %slice3A_116 = vector.extract_strided_slice %transpose3A_73 {offsets = [64, 0], sizes = [32, 1024], strides = [1, 1]} : vector<128x1024xf32> to vector<32x1024xf32>
    %swap3A_117 = arith.constant 1 : index
    %swap3A_118 = arith.constant 0 : index
    %swap3A_119 = arith.constant 2048 : index
    %swap3A_120 = vector.load %arg4[%swap3A_117, %swap3A_118, %swap3A_119] : memref<2x32x4096xf32, #tpu.memory_space<vmem>>, vector<1x32x1024xf32>
    %swap3A_121 = vector.shape_cast %swap3A_120 : vector<1x32x1024xf32> to vector<32x1024xf32>
    %swap3A_122 = vector.shape_cast %slice3A_116 : vector<32x1024xf32> to vector<1x32x1024xf32>
    tpu.vector_store %arg4[%swap3A_117, %swap3A_118, %swap3A_119], %swap3A_122 {strides = array<i32>} : memref<2x32x4096xf32, #tpu.memory_space<vmem>>, vector<1x32x1024xf32>,
    %slice3A_123 = vector.extract_strided_slice %mul3A_87 {offsets = [64, 0], sizes = [32, 1024], strides = [1, 1]} : vector<128x1024xf32> to vector<32x1024xf32>
    %swap3A_124 = arith.constant 1 : index
    %swap3A_125 = arith.constant 0 : index
    %swap3A_126 = arith.constant 2048 : index
    %swap3A_127 = vector.load %arg5[%swap3A_124, %swap3A_125, %swap3A_126] : memref<2x32x4096xf32, #tpu.memory_space<vmem>>, vector<1x32x1024xf32>
    %swap3A_128 = vector.shape_cast %swap3A_127 : vector<1x32x1024xf32> to vector<32x1024xf32>
    %swap3A_129 = vector.shape_cast %slice3A_123 : vector<32x1024xf32> to vector<1x32x1024xf32>
    tpu.vector_store %arg5[%swap3A_124, %swap3A_125, %swap3A_126], %swap3A_129 {strides = array<i32>} : memref<2x32x4096xf32, #tpu.memory_space<vmem>>, vector<1x32x1024xf32>,
    %slice3A_130 = vector.extract_strided_slice %transpose3A_73 {offsets = [96, 0], sizes = [32, 1024], strides = [1, 1]} : vector<128x1024xf32> to vector<32x1024xf32>
    %swap3A_131 = arith.constant 1 : index
    %swap3A_132 = arith.constant 0 : index
    %swap3A_133 = arith.constant 3072 : index
    %swap3A_134 = vector.load %arg4[%swap3A_131, %swap3A_132, %swap3A_133] : memref<2x32x4096xf32, #tpu.memory_space<vmem>>, vector<1x32x1024xf32>
    %swap3A_135 = vector.shape_cast %swap3A_134 : vector<1x32x1024xf32> to vector<32x1024xf32>
    %swap3A_136 = vector.shape_cast %slice3A_130 : vector<32x1024xf32> to vector<1x32x1024xf32>
    tpu.vector_store %arg4[%swap3A_131, %swap3A_132, %swap3A_133], %swap3A_136 {strides = array<i32>} : memref<2x32x4096xf32, #tpu.memory_space<vmem>>, vector<1x32x1024xf32>,
    %slice3A_137 = vector.extract_strided_slice %mul3A_87 {offsets = [96, 0], sizes = [32, 1024], strides = [1, 1]} : vector<128x1024xf32> to vector<32x1024xf32>
    %swap3A_138 = arith.constant 1 : index
    %swap3A_139 = arith.constant 0 : index
    %swap3A_140 = arith.constant 3072 : index
    %swap3A_141 = vector.load %arg5[%swap3A_138, %swap3A_139, %swap3A_140] : memref<2x32x4096xf32, #tpu.memory_space<vmem>>, vector<1x32x1024xf32>
    %swap3A_142 = vector.shape_cast %swap3A_141 : vector<1x32x1024xf32> to vector<32x1024xf32>
    %swap3A_143 = vector.shape_cast %slice3A_137 : vector<32x1024xf32> to vector<1x32x1024xf32>
    tpu.vector_store %arg5[%swap3A_138, %swap3A_139, %swap3A_140], %swap3A_143 {strides = array<i32>} : memref<2x32x4096xf32, #tpu.memory_space<vmem>>, vector<1x32x1024xf32>,
    return
  }
  func.func @transform_0(%arg0: i32) -> (i32, i32, i32) {
    %c0_i32 = arith.constant 0 : i32
    %c0_i32_0 = arith.constant 0 : i32
    %c0_i32_1 = arith.constant 0 : i32
    return %arg0, %c0_i32, %c0_i32_0 : i32, i32, i32
  }
  func.func @transform_1(%arg0: i32) -> (i32, i32) {
    %c0_i32 = arith.constant 0 : i32
    %c0_i32_0 = arith.constant 0 : i32
    %c0_i32_1 = arith.constant 0 : i32
    return %c0_i32, %c0_i32_0 : i32, i32
  }
  func.func @transform_2(%arg0: i32) -> (i32, i32) {
    %c0_i32 = arith.constant 0 : i32
    %c0_i32_0 = arith.constant 0 : i32
    %c0_i32_1 = arith.constant 0 : i32
    return %c0_i32, %c0_i32_0 : i32, i32
  }
  func.func @transform_3(%arg0: i32) -> (i32, i32, i32) {
    %c0_i32 = arith.constant 0 : i32
    %c0_i32_0 = arith.constant 0 : i32
    %c0_i32_1 = arith.constant 0 : i32
    return %arg0, %c0_i32, %c0_i32_0 : i32, i32, i32
  }
  func.func @transform_4(%arg0: i32) -> (i32, i32, i32) {
    %c0_i32 = arith.constant 0 : i32
    %c0_i32_0 = arith.constant 0 : i32
    %c0_i32_1 = arith.constant 0 : i32
    return %arg0, %c0_i32, %c0_i32_0 : i32, i32, i32
  }
}

</mosaic_0001>

<sc_bundles>
// kernel: kernel.5.cloned.1.call-start
scs
__scs_entry_jumppad:
0x0: {  	(pc) =	sbr.rel $0x88, $3  }
0x1: {  	(tag) =	ssettag $0x0;
	lr =	simm.s32 $0x1  }
0x2: {  	[smem:$0x3F9D] =	sst lr;
	_ =	strace $0xD0000000  }
0x3: {  	_ = 	snop  }
0x4: {  	_ = 	snop  }
0x5: {  	_ = 	snop  }
0x6: {  	_ = 	snop  }
0x7: {  	_ = 	snop  }
__scs_overlays_trampoline_lowered:
0x8: {  	[smem:$0x3FAC] =	sst s0  }
0x9: {  	[smem:$0x3FAD] =	sst s1  }
0xa: {  	[smem:$0x3FAE] =	sst s2  }
0xb: {  	[smem:$0x3FAF] =	sst s3  }
0xc: {  	[smem:$0x3FB0] =	sst s4  }
0xd: {  	[smem:$0x3FB1] =	sst s5  }
0xe: {  	[smem:$0x3FB2] =	sst s6  }
0xf: {  	[smem:$0x3FB3] =	sst s7  }
0x10: {  	[smem:$0x3FB4] =	sst s8  }
0x11: {  	[smem:$0x3FB5] =	sst s9;
	s0 =	simm.s32 @!p0 $0x0  }
0x12: {  	s1 =	sld [smem:$0x3F9B];
	s0 =	simm.s32 @p0 $0x1  }
0x13: {  	[smem:$0x3FB6] =	sst s0;
	s0 =	simm.s32 @!p1 $0x0  }
0x14: {  	s2 =	sld [smem:$0x3F9A];
	s0 =	simm.s32 @p1 $0x1  }
0x15: {  	[smem:$0x3FB7] =	sst s0;
	s0 =	simm.s32 @!p2 $0x0  }
0x16: {  	s3 =	sld [smem:$0x3FDB];
	s0 =	simm.s32 @p2 $0x1  }
0x17: {  	s4 =	simm.s32 $0x1BF5;
	[smem:$0x3FB9] =	sst s0  }
0x18: {  	s0 =	sld [smem:$0x3F9C];
	_ =	swait.ge [sflag:s4], $0x0  }
0x19: {  	s7 =	sld [smem:$0x3F9D]  }
0x1a: {  	s8 =	sadd.s32 $0xFFFFE003, lr  }
0x1b: {  	s9 =	sadd.s32 $0xFFFFFEF7, lr;
	s5 =	simm.s32 $0xFFFFFFFF;
	p2 =	slt.u32 s8, $0xFFFFF086  }
0x1c: {  	p1 =	slt.u32 s9, $0xF7A;
	s5 =	simm.s32 @!p2 $0x0  }
0x1d: {  	s5 =	simm.s32 @p1 $0x1;
	p0 =	seq.s32 s7, s2  }
0x1e: {  	s7 =	smul.u32 @!p0 $0xF7A, s2;
	p2 =	seq.s32 @!p0 s5, $0x0  }
0x1f: {  	s9 =	smul.u32 $0xF7A, s1;
	s8 =	simm.s32 @!p0 $0x1BF5;
	p2 =	por !p2, p0  }
0x20: {  	[sflag:s8] =	ssyncset.s32 @!p0 $0xFFFFF086;
	s6 =	sadd.s32 @!p0 s3, s7;
	s7 =	simm.s32 @!p0 $0x108  }
0x21: {  	s3 =	sadd.s32 s3, s9;
	s6 =	sadd.s32 @!p0 $0x88, s6;
	s7 =	simm.s32 @p2 $0x1082  }
0x22: {  	[simem:s7], [sflag:s8] =	dma.local @!p0 [hbm:s6], $0xF7A  }
0x23: {  	s9 =	sor.u32 $0xD0000000, s2;
	s6 =	simm.s32 $0x108;
	_ =	swait.ge @!p0 [sflag:s8], $0x0  }
0x24: {  	s3 =	sadd.s32 $0x88, s3;
	s6 =	simm.s32 @!p1 $0x1082;
	[sflag:s4] =	ssyncset.s32 $0xFFFFF086  }
0x25: {  	[simem:s6], [sflag:s4] =	dma.local [hbm:s3], $0xF7A  }
0x26: {  	[smem:$0x3F9D] =	sst s1;
	(tag) =	ssettag s2;
	_ =	strace s9  }
0x27: {  	s1 =	sld [smem:$0x3FAD]  }
0x28: {  	s2 =	sld [smem:$0x3FAE]  }
0x29: {  	s4 =	sld [smem:$0x3FB0]  }
0x2a: {  	p0 =	seq.s32 s5, $0x0;
	s5 =	sld [smem:$0x3FB1]  }
0x2b: {  	s6 =	sld [smem:$0x3FB2]  }
0x2c: {  	s7 =	sld [smem:$0x3FB3]  }
0x2d: {  	s3 =	simm.s32 $0x108;
	s8 =	sld [smem:$0x3FB4]  }
0x2e: {  	s3 =	simm.s32 @!p0 $0x1082;
	s9 =	sld [smem:$0x3FB5]  }
0x2f: {  	lr =	sadd.s32 s0, s3;
	s0 =	sld [smem:$0x3FAC]  }
0x30: {  	s3 =	sld [smem:$0x3FAF]  }
0x31: {  	[smem:$0x3FB8] =	sst s10  }
0x32: {  	s10 =	sld [smem:$0x3FB6];
	_ =	sdelay $0x3  }
0x33: {  	p0 =	seq.s32 s10, $0x1;
	s10 =	sld [smem:$0x3FB8];
	_ =	sdelay $0x3  }
0x34: {  	[smem:$0x3FB8] =	sst s10  }
0x35: {  	s10 =	sld [smem:$0x3FB7];
	_ =	sdelay $0x3  }
0x36: {  	p1 =	seq.s32 s10, $0x1;
	s10 =	sld [smem:$0x3FB8];
	_ =	sdelay $0x3  }
0x37: {  	[smem:$0x3FB8] =	sst s10  }
0x38: {  	s10 =	sld [smem:$0x3FB9]  }
0x39: {  	_ = 	snop;
	(pc) =	sbr.ind lr, $3  }
0x3a: {  	_ = 	snop  }
0x3b: {  	_ = 	snop  }
0x3c: {  	p2 =	seq.s32 s10, $0x1;
	s10 =	sld [smem:$0x3FB8]  }
0x3d: {  	_ =	shalt  }
0x3e: {  	_ =	shalt  }
0x3f: {  	_ =	shalt  }
0x40: {  	_ =	shalt  }
0x41: {  	_ =	shalt  }
0x42: {  	_ =	shalt  }
0x43: {  	_ =	shalt  }
0x44: {  	_ =	shalt  }
0x45: {  	_ =	shalt  }
0x46: {  	_ =	shalt  }
0x47: {  	_ =	shalt  }
0x48: {  	_ =	shalt  }
0x49: {  	_ =	shalt  }
0x4a: {  	_ =	shalt  }
0x4b: {  	_ =	shalt  }
0x4c: {  	_ =	shalt  }
0x4d: {  	_ =	shalt  }
0x4e: {  	_ =	shalt  }
0x4f: {  	_ =	shalt  }
0x50: {  	_ =	shalt  }
0x51: {  	_ =	shalt  }
0x52: {  	_ =	shalt  }
0x53: {  	_ =	shalt  }
0x54: {  	_ =	shalt  }
0x55: {  	_ =	shalt  }
0x56: {  	_ =	shalt  }
0x57: {  	_ =	shalt  }
0x58: {  	_ =	shalt  }
0x59: {  	_ =	shalt  }
0x5a: {  	_ =	shalt  }
0x5b: {  	_ =	shalt  }
0x5c: {  	_ =	shalt  }
0x5d: {  	_ =	shalt  }
0x5e: {  	_ =	shalt  }
0x5f: {  	_ =	shalt  }
0x60: {  	_ =	shalt  }
0x61: {  	_ =	shalt  }
0x62: {  	_ =	shalt  }
0x63: {  	_ =	shalt  }
0x64: {  	_ =	shalt  }
0x65: {  	_ =	shalt  }
0x66: {  	_ =	shalt  }
0x67: {  	_ =	shalt  }
0x68: {  	_ =	shalt  }
0x69: {  	_ =	shalt  }
0x6a: {  	_ =	shalt  }
0x6b: {  	_ =	shalt  }
0x6c: {  	_ =	shalt  }
0x6d: {  	_ =	shalt  }
0x6e: {  	_ =	shalt  }
0x6f: {  	_ =	shalt  }
0x70: {  	_ =	shalt  }
0x71: {  	_ =	shalt  }
0x72: {  	_ =	shalt  }
0x73: {  	_ =	shalt  }
0x74: {  	_ =	shalt  }
0x75: {  	_ =	shalt  }
0x76: {  	_ =	shalt  }
0x77: {  	_ =	shalt  }
0x78: {  	_ =	shalt  }
0x79: {  	_ =	shalt  }
0x7a: {  	_ =	shalt  }
0x7b: {  	_ =	shalt  }
0x7c: {  	_ =	shalt  }
0x7d: {  	_ =	shalt  }
0x7e: {  	_ =	shalt  }
0x7f: {  	_ =	shalt  }
0x80: {  	_ =	shalt  }
0x81: {  	_ =	shalt  }
0x82: {  	_ =	shalt  }
0x83: {  	_ =	shalt  }
0x84: {  	_ =	shalt  }
0x85: {  	_ =	shalt  }
0x86: {  	_ =	shalt  }
0x87: {  	_ =	shalt  }
.Lfunc_end0:
.L_simem_size_0:
called_computation_lowered:
.L_overlay_start_0:
0x88: {  	s2 =	sld [smem:$0x3FD9]  }
0x89: {  	s3 =	sld [smem:$0x3FFE];
	_ =	sdelay $0x1  }
0x8a: {  	s1 =	srdreg.scid  }
0x8b: {  	s0 =	sand.u32 $0x1, s1  }
0x8c: {  	s14 =	sshll.u32 s0, $0xA;
	s2 =	sadd.s32 s3, s2  }
0x8d: {  	s2 =	sadd.s32 s2, s14  }
0x8e: {  	[smem:$0x3FC4] =	sst s2  }
0x8f: {  	_ = 	snop  }
0x90: {  	s2 =	sld [smem:$0x3FD0];
	_ =	sdelay $0x2  }
0x91: {  	s15 =	simm.s32 $0xA;
	s4 =	simm.s32 $0x10  }
0x92: {  	[smem:s4], [sflag:s15] =	dma.local [hbm:s2], $0x1  }
0x93: {  	_ =	swait.eq [sflag:s15], $0x1  }
0x94: {  	[sflag:s15] =	ssyncset.done $0x0  }
0x95: {  	[sflag:s15] =	ssyncadd.s32 $0xFFFFFFFF  }
0x96: {  	s16 =	sld [smem:$0x11];
	(tm) =	ssettm $0x1  }
0x97: {  	s17 =	sld [smem:$0x3FFB];
	_ =	sdelay $0x3  }
0x98: {  	_ =	strace s17  }
0x99: {  	s3 =	sld [smem:$0x3FFC];
	_ =	sdelay $0x3  }
0x9a: {  	_ =	strace s3  }
0x9b: {  	s3 =	sld [smem:$0x3FFD];
	_ =	sdelay $0x3  }
0x9c: {  	_ =	strace s3  }
0x9d: {  	_ =	strace $0x8FFFFFFF  }
0x9e: {  	s18 =	sld [smem:$0x3FDB];
	_ =	sdelay $0x1  }
0x9f: {  	s19 =	simm.s32 $_scs_section_size  }
0xa0: {  	s5 =	simm.s32 $_size__tile_overlayer_lowered;
	s6 =	simm.s32 $_tile_overlayer_lowered  }
0xa1: {  	s22 =	simm.s32 $0x1BFF;
	s21 =	sshll.u32 s6, $0x1;
	s3 =	sadd.s32 s19, s18  }
0xa2: {  	s7 =	simm.s32 $0x0;
	s20 =	sshll.u32 s5, $0x1;
	s5 =	sadd.s32 s21, s3  }
0xa3: {  	[timem:s7], [sflag:s22] =	dma.local [hbm:s5], s20  }
0xa4: {  	_ =	swait.ge [sflag:s22], s20  }
0xa5: {  	s4 =	ssub.s32 $0x0, s20;
	[sflag:s22] =	ssyncset.done $0x0  }
0xa6: {  	[sflag:s22] =	ssyncadd.s32 s4;
	_ =	sdelay $0x1  }
0xa7: {  	s23 =	simm.s32 $0x1B8B  }
0xa8: {  	_ =	swait.ge [sflag:s23], $0x1  }
0xa9: {  	[sflag:s23] =	ssyncset.done $0x0  }
0xaa: {  	s25 =	simm.s32 $0x1B8E;
	s24 =	sld [smem:$0x3FFE];
	[sflag:s23] =	ssyncadd.s32 $0xFFFFFFFF  }
0xab: {  	s26 =	simm.s32 $execute0_lowered;
	[smem:$0x3FD2] =	sst s25  }
0xac: {  	s5 =	sshll.u32 s26, $0x1;
	_ =	strace $0x80000046;
	[dreg:$0x1] =	wrdreg $0xFFFFFFFF  }
0xad: {  	s28 =	simm.s32 $_size_execute0_lowered;
	s3 =	sadd.s32 s3, s5;
	[dreg:$0x0] =	wrdreg $0x0  }
0xae: {  	s5 =	sshll.u32 s28, $0x1;
	[dreg:$0x2] =	wrdreg s3  }
0xaf: {  	[dreg:$0x3] =	wrdreg s5  }
0xb0: {  	[dreg:$0x4] =	wrdreg $0xC0  }
0xb1: {  	_ =	task [dreg:s7], $0x5FFFF  }
0xb2: {  	[dreg:$0x1] =	wrdreg $0xFFFFFFFF  }
0xb3: {  	[dreg:$0x0] =	wrdreg $0x60  }
0xb4: {  	[dreg:$0x2] =	wrdreg s24  }
0xb5: {  	[dreg:$0x3] =	wrdreg s16  }
0xb6: {  	[dreg:$0x4] =	wrdreg $0x9  }
0xb7: {  	_ =	task.clear_ibuf [dreg:s7], $0x5FFFF;
	_ =	strace $0x90000046  }
0xb8: {  	s29 =	simm.s32 $0x9;
	_ =	strace $0x8000004F  }
0xb9: {  	_ =	swait.ge [sflag:s29], $0x1  }
0xba: {  	[sflag:s29] =	ssyncadd.s32 $0xFFFFFFFF  }
0xbb: {  	_ =	strace $0x9000004F  }
0xbc: {  	_ =	sfence  }
0xbd: {  	s30 =	sld [smem:$0x0];
	_ =	sdelay $0x2  }
0xbe: {  	s31 =	sshll.u32 s1, $0xD;
	s1 =	sshrl.u32 s1, $0x2  }
0xbf: {  	s3 =	sand.u32 $0x4000, s31;
	s1 =	sadd.s32 s1, s30  }
0xc0: {  	s0 =	sor.u32 s3, s0;
	s1 =	sshll.u32 s1, $0x11  }
0xc1: {  	s0 =	sor.u32 s1, s0  }
0xc2: {  	s0 =	sadd.s32 $0x8F2B, s0  }
0xc3: {  	[sflag:s0] =	ssyncadd.remote.s32 $0x1  }
0xc4: {  	_ =	sfence.sel $0xFFFF  }
0xc5: {  	[dreg:$0x0] =	wrdreg $0xFFFFFFFF;
	(pc) =	sbr.abs _section_cstart, $3  }
0xc6: {  	[dreg:$0x1] =	wrdreg $0xFFFFFFFF  }
0xc7: {  	_ =	task.clear_ibuf [dreg:s7], $0x2FFFF;
	_ =	strace $0x9FFFFFFF  }
0xc8: {  	(tm) =	ssettm $0x7FFFFFFF  }
0xc9: {  	_ =	shalt  }
tec
execute0_lowered:
.L_overlay_start_1:
0x0: {  	(tag) =	ssettag $0x1  }
0x1: {  	s0 =	srdreg.scid;
	s6 =	rddreg [dreg:$0x0]  }
0x2: {  	s30 =	stileid.u32;
	s2 =	rddreg [dreg:$0x1];
	s7 =	sand.u32 $0x1, s0  }
0x3: {  	s3 =	simm.s32 $0x0;
	s13 =	simm.s32 $0x80;
	s1 =	sshll.u32 s7, $0x4  }
0x4: {  	s14 =	simm.s32 $0x5;
	[smem:$0x7FF] =	sst s3;
	s4 =	sor.u32 s30, s1  }
0x5: {  	s15 =	simm.s32 $0x0;
	_ =	strace $0x80000047;
	s5 =	smul.u32 $0x6, s4  }
0x6: {  	s31 =	ssub.s32 $0x2, s7;
	s7 =	simm.s32 $0x7;
	s8 =	smul.u32 $0x7, s4  }
0x7: {  	s10 =	sshrl.u32 s31, $0x1;
	p0 =	slt.u32 s4, $0x8;
	s4 =	sadd.s32 $0x8, s5  }
0x8: {  	s12 =	ssub.s32 s31, s10;
	s7 =	simm.s32 @!p0 $0x6;
	s4 =	smov.u32 @p0 s8  }
0x9: {  	s12 =	smax.u32 s12, $0x1;
	s5 =	sadd.s32 $0xA00, s6;
	s9 =	sshll.u32 s4, $0x9  }
0xa: {  	s6 =	sadd.s32 $0x3D8A00, s6;
	s8 =	sshll.u32 s7, $0x2;
	s9 =	sand.u32 $0x1FFFFE00, s9  }
0xb: {  	s11 =	sadd.s32 $0x3FFFFFFF, s7;
	s10 =	sadd.s32 $0xFFFFFFFF, s8;
	s9 =	sadd.s32 s2, s9  }
.LBB2_1:
0xc: {  	_ =	strace $0x80000048;
	s23 =	simm.s32 $0x0;
	s24 =	simm.s32 $0x0  }
0xd: {  	s16 =	simm.s32 $0x0;
	s17 =	simm.s32 $0x0;
	s18 =	simm.s32 $0x0  }
0xe: {  	[tilespmem:s3], [sflag:$0x1] =	stream.linear.gather [hbm4b:s9+s3], $0x400, $0x200038;
	[tilespmem:$0x10800] =	vst v63  }
0xf: {  	s19 =	simm.s32 $0x1;
	s20 =	simm.s32 $0x0;
	_ =	strace $0x90000048  }
.LBB2_2:
0x10: {  	s21 =	sadd.s32 $0x1, s23  }
0x11: {  	s22 =	simm.s32 $0x1;
	p0 =	seq.s32 s21, $0x4  }
0x12: {  	s22 =	simm.s32 @!p0 $0x0  }
0x13: {  	s22 =	sadd.s32 s22, s24  }
0x14: {  	p1 =	seq.s32 s22, s7  }
0x15: {  	s25 =	sadd.s32 s4, s24;
	s22 =	simm.s32 @p1 $0x0  }
0x16: {  	s26 =	simm.s32 $0x1;
	s29 =	sshll.u32 s25, $0x2;
	s28 =	sadd.s32 s4, s22  }
0x17: {  	s21 =	simm.s32 @p0 $0x0;
	p1 =	seq.s32 s23, $0x0;
	s28 =	sshll.u32 s28, $0x2  }
0x18: {  	s29 =	sadd.s32 s23, s29;
	s26 =	simm.s32 @!p1 $0x0;
	s28 =	sadd.s32 s21, s28  }
0x19: {  	p2 =	slt.u32 s20, s10;
	s26 =	ssub.s32 s24, s26;
	p0 =	sne.s32 s29, s28  }
0x1a: {  	p3 =	seq.s32 s26, $0xFFFFFFFF;
	p2 =	por !p2, !p0  }
0x1b: {  	s30 =	sadd.s32 $0xFFFFFFFF, s23;
	s26 =	smov.u32 @p3 s11;
	p2 =	por !p2, !p2  }
0x1c: {  	s26 =	sadd.s32 s4, s26;
	_ =	strace @p2 $0x80000049;
	s28 =	sshll.u32 @p2 s28, $0x7  }
0x1d: {  	s31 =	sand.u32 @p2 $0x1, s19;
	s0 =	simm.s32 @p2 $0x0;
	s28 =	sand.u32 @p2 $0x1FFFFF80, s28  }
0x1e: {  	s1 =	sshll.u32 @p2 s31, $0xA;
	s31 =	sadd.s32 @p2 $0x1, s31;
	s28 =	sadd.s32 @p2 s2, s28  }
0x1f: {  	[tilespmem:s1], [sflag:s31] =	stream.linear.gather @p2 [hbm4b:s28+s0], $0x400, $0x200038;
	[tilespmem:$0x10800] =	vst v63  }
0x20: {  	s30 =	simm.s32 @p1 $0x3;
	s28 =	sshll.u32 s26, $0x2  }
0x21: {  	p1 =	seq.s32 s20, $0x0;
	s0 =	sadd.s32 s30, s28  }
0x22: {  	p3 =	seq.s32 @!p1 s29, s0  }
0x23: {  	p3 =	por p1, !p3  }
0x24: {  	_ =	strace @p2 $0x90000049;
	s0 =	sand.u32 @p3 $0x1, s18  }
0x25: {  	_ =	strace @p3 $0x8000004A;
	s0 =	sadd.s32 @p3 $0x1, s0  }
0x26: {  	_ =	swait.ge @p3 [sflag:s0], $0x400  }
0x27: {  	[sflag:s0] =	ssyncset.done @p3 $0x0  }
0x28: {  	[sflag:s0] =	ssyncadd.s32 @p3 $0xFFFFFC00;
	s0 =	sand.u32 $0x1, s17  }
0x29: {  	s30 =	sshll.u32 s18, $0xA;
	_ =	strace @p3 $0x9000004A;
	s1 =	sshll.u32 s0, $0xF  }
0x2a: {  	s28 =	sand.u32 $0x400, s30;
	_ =	strace $0x8000004B;
	s26 =	sor.u32 $0x800, s1  }
0x2b: {  	[tilespmem:s26], [sflag:$0x5] =	stream.indirect.gather [hbm4b:s5+s13], $0x20, s28, s13, $0x2000b8;
	[tilespmem:$0x10800] =	vst v63  }
0x2c: {  	_ =	swait.ge [sflag:s14], $0x1000  }
0x2d: {  	[sflag:s14] =	ssyncset.done $0x0  }
0x2e: {  	s31 =	sor.u32 $0x80, s28;
	s29 =	sor.u32 $0x1800, s1;
	[sflag:s14] =	ssyncadd.s32 $0xFFFFF000  }
0x2f: {  	[tilespmem:s29], [sflag:$0x5] =	stream.indirect.gather [hbm4b:s5+s13], $0x20, s31, s13, $0x2000b8;
	[tilespmem:$0x10800] =	vst v63  }
0x30: {  	_ =	swait.ge [sflag:s14], $0x1000  }
0x31: {  	[sflag:s14] =	ssyncset.done $0x0  }
0x32: {  	s29 =	sor.u32 $0x2800, s1;
	s31 =	sor.u32 $0x100, s28;
	[sflag:s14] =	ssyncadd.s32 $0xFFFFF000  }
0x33: {  	[tilespmem:s29], [sflag:$0x5] =	stream.indirect.gather [hbm4b:s5+s13], $0x20, s31, s13, $0x2000b8;
	[tilespmem:$0x10800] =	vst v63  }
0x34: {  	_ =	swait.ge [sflag:s14], $0x1000  }
0x35: {  	[sflag:s14] =	ssyncset.done $0x0  }
0x36: {  	s29 =	sor.u32 $0x3800, s1;
	s31 =	sor.u32 $0x180, s28;
	[sflag:s14] =	ssyncadd.s32 $0xFFFFF000  }
0x37: {  	[tilespmem:s29], [sflag:$0x5] =	stream.indirect.gather [hbm4b:s5+s13], $0x20, s31, s13, $0x2000b8;
	[tilespmem:$0x10800] =	vst v63  }
0x38: {  	_ =	swait.ge [sflag:s14], $0x1000  }
0x39: {  	[sflag:s14] =	ssyncset.done $0x0  }
0x3a: {  	s29 =	sor.u32 $0x4800, s1;
	s31 =	sor.u32 $0x200, s28;
	[sflag:s14] =	ssyncadd.s32 $0xFFFFF000  }
0x3b: {  	[tilespmem:s29], [sflag:$0x5] =	stream.indirect.gather [hbm4b:s5+s13], $0x20, s31, s13, $0x2000b8;
	[tilespmem:$0x10800] =	vst v63  }
0x3c: {  	_ =	swait.ge [sflag:s14], $0x1000  }
0x3d: {  	[sflag:s14] =	ssyncset.done $0x0  }
0x3e: {  	s29 =	sor.u32 $0x5800, s1;
	s31 =	sor.u32 $0x280, s28;
	[sflag:s14] =	ssyncadd.s32 $0xFFFFF000  }
0x3f: {  	[tilespmem:s29], [sflag:$0x5] =	stream.indirect.gather [hbm4b:s5+s13], $0x20, s31, s13, $0x2000b8;
	[tilespmem:$0x10800] =	vst v63  }
0x40: {  	_ =	swait.ge [sflag:s14], $0x1000  }
0x41: {  	[sflag:s14] =	ssyncset.done $0x0  }
0x42: {  	s29 =	sor.u32 $0x6800, s1;
	s31 =	sor.u32 $0x300, s28;
	[sflag:s14] =	ssyncadd.s32 $0xFFFFF000  }
0x43: {  	[tilespmem:s29], [sflag:$0x5] =	stream.indirect.gather [hbm4b:s5+s13], $0x20, s31, s13, $0x2000b8;
	[tilespmem:$0x10800] =	vst v63  }
0x44: {  	p4 =	sne.s32 s23, s21;
	p5 =	sne.s32 s24, s22;
	_ =	swait.ge [sflag:s14], $0x1000  }
0x45: {  	p6 =	seq.s32 s10, s20;
	p4 =	por p4, p5;
	[sflag:s14] =	ssyncset.done $0x0  }
0x46: {  	s1 =	sor.u32 $0x7800, s1;
	s28 =	sor.u32 $0x380, s28;
	[sflag:s14] =	ssyncadd.s32 $0xFFFFF000  }
0x47: {  	[tilespmem:s1], [sflag:$0x5] =	stream.indirect.gather [hbm4b:s5+s13], $0x20, s28, s13, $0x2000b8;
	[tilespmem:$0x10800] =	vst v63  }
0x48: {  	p4 =	por p6, p4;
	_ =	swait.ge [sflag:s14], $0x1000  }
0x49: {  	s23 =	sshll.u32 @p4 s23, $0x5;
	s1 =	sshll.u32 @p4 s25, $0x11;
	[sflag:s14] =	ssyncset.done $0x0  }
0x4a: {  	s24 =	simm.s32 @p4 $0x80;
	s1 =	sadd.s32 @p4 s23, s1;
	[sflag:s14] =	ssyncadd.s32 $0xFFFFF000  }
0x4b: {  	s0 =	sadd.s32 @p4 $0x3, s0;
	s1 =	sshrl.u32 @p4 s1, $0x3;
	_ =	strace $0x9000004B  }
0x4c: {  	s23 =	simm.s32 @p4 $0x20;
	s1 =	sadd.s32 @p4 s6, s1;
	_ =	strace @p4 $0x8000004C  }
0x4d: {  	[hbm4b:s1+s23] =	stream.strided.scatter @p4 [tilespmem:s26], [sflag:s0], $0x8000, s24, s23, $0x200038;
	[tilespmem:$0x10800] =	vst v63  }
0x4e: {  	s1 =	sand.u32 @!p1 $0x1, s16;
	_ =	strace @p4 $0x9000004C  }
0x4f: {  	s1 =	sadd.s32 @!p1 $0x3, s1;
	_ =	strace @!p1 $0x8000004D  }
0x50: {  	p0 =	por p6, p0;
	s0 =	simm.s32 $0x1;
	_ =	swait.ge @!p1 [sflag:s1], $0x8000  }
0x51: {  	s0 =	simm.s32 @!p2 $0x0;
	p2 =	sne.s32 s20, $0x0;
	[sflag:s1] =	ssyncset.done @!p1 $0x0  }
0x52: {  	s20 =	sadd.s32 $0x1, s20;
	[sflag:s1] =	ssyncadd.s32 @!p1 $0xFFFF8000;
	s1 =	simm.s32 $0x1  }
0x53: {  	s1 =	simm.s32 @!p0 $0x0;
	p0 =	sne.s32 s8, s20  }
.Ltmp0:
0x54: {  	_ = 	snop;
	(pc) =	sbr.rel @p0 .LBB2_2-.Ltmp0, $4  }
0x55: {  	s23 =	simm.s32 $0x1;
	s24 =	smov.u32 s22  }
0x56: {  	s23 =	simm.s32 @!p4 $0x0;
	s19 =	sadd.s32 s0, s19;
	s0 =	simm.s32 $0x1  }
0x57: {  	s17 =	sadd.s32 s23, s17;
	s23 =	smov.u32 s21;
	s0 =	simm.s32 @!p2 $0x0  }
0x58: {  	s16 =	sadd.s32 s0, s16;
	_ =	strace @!p1 $0x9000004D;
	s18 =	sadd.s32 s1, s18  }
0x59: {  	s15 =	sadd.s32 $0x1, s15  }
0x5a: {  	s0 =	sand.u32 $0x1, s16;
	p0 =	sne.s32 s15, s12  }
.Ltmp1:
0x5b: {  	_ =	strace $0x8000004E;
	s0 =	sadd.s32 $0x3, s0;
	(pc) =	sbr.rel @p0 .LBB2_1-.Ltmp1, $4  }
0x5c: {  	_ =	swait.ge [sflag:s0], $0x8000  }
0x5d: {  	[sflag:s0] =	ssyncset.done $0x0  }
0x5e: {  	[sflag:s0] =	ssyncadd.s32 $0xFFFF8000  }
0x5f: {  	_ =	strace $0x9000004E  }
0x60: {  	_ =	sfence.sel $0x180000  }
0x61: {  	[bflag:$0x0] =	sbarrier.arrive $0xFFFF  }
0x62: {  	_ =	strace $0x90000047  }
0x63: {  	s0 =	stileid.u32;
	[bflag:$0x2] =	sbarrier.arrive $0xFFFF  }
0x64: {  	p0 =	sne.s32 s0, $0x0;
	s0 =	rddreg [dreg:$0x2]  }
0x65: {  	s0 =	sadd.s32 @!p0 $0x100000, s0  }
0x66: {  	[sflag:s0] =	ssyncadd.tile.s32 @!p0 $0x1;
	_ =	shalt  }
.Lfunc_end2:
_tile_overlayer_lowered:
.L_overlay_start_2:
0x67: {  	(tag) =	ssettag $0x2  }
0x68: {  	s0 =	rddreg [dreg:$0x0];
	s2 =	stileid.u32  }
0x69: {  	s1 =	rddreg [dreg:$0x1];
	p0 =	sne.s32 s2, $0x0  }
0x6a: {  	s3 =	rddreg [dreg:$0x2];
	[bflag:$0x3] =	sbarrier.arrive $0xFFFF;
	s2 =	simm.s32 @!p0 $0x1C01  }
0x6b: {  	[timem:s3], [sflag:s2] =	dma.local @!p0 [hbm:s0], s1  }
0x6c: {  	s0 =	simm.s32 @!p0 $0x1  }
0x6d: {  	_ =	swait.ge @!p0 [sflag:s0], s1  }
0x6e: {  	s1 =	ssub.s32 @!p0 $0x0, s1;
	[sflag:s0] =	ssyncset.done @!p0 $0x0  }
0x6f: {  	[sflag:s0] =	ssyncadd.s32 @!p0 s1  }
0x70: {  	[bflag:$0x3] =	sbarrier.arrive $0xFFFF  }
0x71: {  	_ =	shalt  }

</sc_bundles>
